<compile_context>
chip_gen: v7x
topology: tpu7x:2x2x1
jax: 0.10.2.dev20260603
libtpu: 0.0.44.dev20260713+nightly
codegen_flags: <defaults>
</compile_context>

<pallas_src>
import functools

import jax
import jax.numpy as jnp
import numpy as np
from jax import lax
from jax.experimental import pallas as pl
from jax.experimental.pallas import tpu as pltpu
from jax.experimental.pallas import tpu_sc as plsc

VOCAB = 1000000
D = 64
SEQ = 2048
BATCH = 4
N = SEQ * BATCH

NC = 2
NS = 16
NW = NC * NS
TPW = N // NW
SPW = SEQ // (NW // BATCH)
LANES = 128
RING = 6
IPAD = TPW + 16
NK = D // 16


def _pos_enc_np(max_len, d_model):
    position = np.arange(max_len, dtype=np.float32)[:, None]
    div_term = np.exp(
        np.arange(0, d_model, 2, dtype=np.float32) * -(np.log(10000.0) / d_model))
    pe = np.zeros((max_len, d_model), dtype=np.float32)
    pe[:, 0::2] = np.sin(position * div_term)
    pe[:, 1::2] = np.cos(position * div_term)
    return pe


_PE_T = np.ascontiguousarray(_pos_enc_np(SEQ, D).T)


@functools.cache
def _make_fused():
    mesh = plsc.VectorSubcoreMesh(core_axis_name="c", subcore_axis_name="s")

    @functools.partial(
        pl.kernel,
        mesh=mesh,
        out_type=jax.ShapeDtypeStruct((BATCH, D, SEQ), jnp.float32),
        scratch_types=[
            pltpu.VMEM((IPAD,), jnp.int32),
            pltpu.VMEM((IPAD,), jnp.int32),
            pltpu.VMEM((RING, D, LANES), jnp.float32),
            pltpu.VMEM((D, TPW), jnp.float32),
            pltpu.VMEM((D, SPW), jnp.float32),
            pltpu.VMEM((D,), jnp.float32),
            pltpu.VMEM((D,), jnp.float32),
            pltpu.SemaphoreType.DMA,
        ],
        compiler_params=pltpu.CompilerParams(needs_layout_passes=False),
    )
    def fused_k(tab_t, q_hbm, m_hbm, pe_hbm, sc_hbm, bi_hbm, out3,
                q_v, m_v, ring, trows, pe_v, sc_v, bi_v, sem):
        wid = lax.axis_index("s") * NC + lax.axis_index("c")
        base = wid * TPW
        b = wid // (NW // BATCH)
        s0 = lax.rem(wid, NW // BATCH) * SPW
        pltpu.sync_copy(q_hbm.at[pl.ds(base, TPW)], q_v.at[pl.ds(0, TPW)])
        pltpu.sync_copy(m_hbm.at[pl.ds(base, TPW)], m_v.at[pl.ds(0, TPW)])
        pltpu.sync_copy(pe_hbm.at[:, pl.ds(s0, SPW)], pe_v)
        pltpu.sync_copy(sc_hbm, sc_v)
        pltpu.sync_copy(bi_hbm, bi_v)

        def fetch(t, slot):
            qv = q_v[pl.ds(t, 16)][0]
            off = pl.multiple_of(qv * LANES, LANES)
            pltpu.async_copy(
                tab_t.at[:, pl.ds(off, LANES)], ring.at[slot], sem)

        for r in range(RING):
            fetch(r, r)

        lanes16 = lax.iota(jnp.int32, 16)
        scale = [sc_v[pl.ds(16 * k, 16)] for k in range(NK)]
        bias = [bi_v[pl.ds(16 * k, 16)] for k in range(NK)]

        def body(t, carry):
            slot = lax.rem(t, RING)
            pltpu.make_async_copy(
                tab_t.at[:, pl.ds(0, LANES)], ring.at[slot], sem).wait()
            m = m_v[pl.ds(t, 16)][0]
            midx = jnp.full((16,), m, jnp.int32)
            sidx = jnp.full((16,), slot, jnp.int32)
            tidx = jnp.full((16,), t, jnp.int32)
            e = []
            for k in range(NK):
                g = plsc.load_gather(ring, [sidx, lanes16 + 16 * k, midx])
                p = plsc.load_gather(pe_v, [lanes16 + 16 * k, tidx])
                e.append(g + p)
            tot = jnp.sum(e[0] + e[1] + e[2] + e[3])
            mu = jnp.full((16,), tot * (1.0 / D), jnp.float32)
            d = [ek - mu for ek in e]
            sq = d[0] * d[0] + d[1] * d[1] + d[2] * d[2] + d[3] * d[3]
            xv = jnp.full((16,), jnp.sum(sq) * (1.0 / D) + 1e-10, jnp.float32)
            i = plsc.bitcast(xv, jnp.int32)
            y = plsc.bitcast(jnp.int32(0x5F3759DF) - (i >> 1), jnp.float32)
            half = xv * 0.5
            for _ in range(3):
                y = y * (1.5 - half * y * y)
            for k in range(NK):
                o = d[k] * y * scale[k] + bias[k]
                plsc.store_scatter(trows, [lanes16 + 16 * k, tidx], o)
            tn = t + RING

            @pl.when(tn < TPW)
            def _():
                fetch(tn, lax.rem(tn, RING))

            return carry

        lax.fori_loop(0, TPW, body, 0)
        pltpu.sync_copy(trows, out3.at[b].at[:, pl.ds(s0, SPW)])

    return fused_k


def kernel(x, table, ln_scale, ln_bias):
    idx = x.T.reshape(-1).astype(jnp.int32)
    q = idx // LANES
    m = idx % LANES
    table_t = table.T
    pe_t = jnp.asarray(_PE_T)
    out3 = _make_fused()(table_t, q, m, pe_t,
                         ln_scale.astype(jnp.float32),
                         ln_bias.astype(jnp.float32))
    return out3.transpose(2, 0, 1)

# --- scband reference (transcript-rebuilt; emitter-appended) ---
"""Pipeline reference for scband-embeddings-28243704938647 (READ-ONLY COPY).

The authoritative reference and input builder live on the scoring server;
editing this copy changes nothing except your own understanding.
"""

import jax, jax.numpy as jnp
import numpy as np

VOCAB = 1000000
D_MODEL = 64
SEQ = 2048
BATCH = 4

def make_pos_enc(max_len, d_model):
    position = np.arange(max_len, dtype=np.float32)[:, None]
    div_term = np.exp(np.arange(0, d_model, 2, dtype=np.float32) * -(np.log(10000.0) / d_model))
    pe = np.zeros((max_len, 1, d_model), dtype=np.float32)
    pe[:, 0, 0::2] = np.sin(position * div_term)
    pe[:, 0, 1::2] = np.cos(position * div_term)
    return jnp.asarray(pe)

def setup_inputs(seed: int = 0) -> dict:
    key = jax.random.key(seed)
    k1, k2 = jax.random.split(key)
    x = jax.random.randint(k1, (SEQ, BATCH), 0, VOCAB, dtype=jnp.int64)
    table = jax.random.normal(k2, (VOCAB, D_MODEL), dtype=jnp.float32)
    ln_scale = jnp.ones((D_MODEL,), dtype=jnp.float32)
    ln_bias = jnp.zeros((D_MODEL,), dtype=jnp.float32)
    return {"x": x, "table": table, "ln_scale": ln_scale, "ln_bias": ln_bias}

def reference(x, table, ln_scale, ln_bias):
    # token embedding lookup (gather)
    emb = jnp.take(table, x, axis=0)  # [S, B, D]
    # fixed sinusoidal positional encoding (non-learned buffer); dropout is identity in eval
    pe = make_pos_enc(emb.shape[0], table.shape[1])  # [S, 1, D]
    emb = emb + pe
    # layer norm over last dim, eps=1e-10, biased variance (matches torch)
    mu = jnp.mean(emb, axis=-1, keepdims=True)
    var = jnp.mean((emb - mu) ** 2, axis=-1, keepdims=True)
    out = (emb - mu) / jnp.sqrt(var + 1e-10) * ln_scale + ln_bias
    return out

if __name__ == "__main__":
    import jax
    _d = setup_inputs()
    print(jax.jit(kernel)(*tuple(_d.values())))

</pallas_src>

<mosaic_0001>
#map = affine_map<(d0, d1) -> (0, 0)>
#map1 = affine_map<(d0, d1) -> (0)>
#map2 = affine_map<(d0, d1) -> (0, 0, 0)>
module attributes {stable_mosaic.version = 14 : i64} {
  func.func @fused_k(%arg0: i32, %arg1: i32, %arg2: memref<64x1000000xf32, #tpu.memory_space<hbm>>, %arg3: memref<8192xi32, #tpu.memory_space<hbm>>, %arg4: memref<8192xi32, #tpu.memory_space<hbm>>, %arg5: memref<64x2048xf32, #tpu.memory_space<hbm>>, %arg6: memref<64xf32, #tpu.memory_space<hbm>>, %arg7: memref<64xf32, #tpu.memory_space<hbm>>, %arg8: memref<4x64x2048xf32, #tpu.memory_space<hbm>>, %arg9: memref<272xi32, #tpu.memory_space<vmem>>, %arg10: memref<272xi32, #tpu.memory_space<vmem>>, %arg11: memref<6x64x128xf32, #tpu.memory_space<vmem>>, %arg12: memref<64x256xf32, #tpu.memory_space<vmem>>, %arg13: memref<64x256xf32, #tpu.memory_space<vmem>>, %arg14: memref<64xf32, #tpu.memory_space<vmem>>, %arg15: memref<64xf32, #tpu.memory_space<vmem>>, %arg16: memref<!tpu.dma_semaphore, #tpu.memory_space<semaphore_mem>>) attributes {dimension_semantics = [#tpu.dimension_semantics<core_parallel>, #tpu.dimension_semantics<subcore_parallel>], iteration_bounds = array<i64: 2, 16>, scalar_prefetch = 0 : i64, scratch_operands = 8 : i64, tpu.core_type = #tpu.core_type<sc_vector_subcore>, window_params = [{transform_indices = #map}, {transform_indices = #map1}, {transform_indices = #map1}, {transform_indices = #map}, {transform_indices = #map1}, {transform_indices = #map1}, {transform_indices = #map2}]} {
    %mul3A = arith.constant 2 : i32
    %mul3A_0 = arith.muli %arg1, %mul3A : i32
    %add3A = arith.addi %mul3A_0, %arg0 : i32
    %mul3A_1 = arith.constant 256 : i32
    %mul3A_2 = arith.muli %add3A, %mul3A_1 : i32
    %jit3A = arith.constant 8 : i32
    %div3A = arith.divsi %add3A, %jit3A : i32
    %sign3A = arith.constant 0 : i32
    %sign3A_3 = arith.cmpi sgt, %add3A, %sign3A : i32
    %sign3A_4 = arith.extui %sign3A_3 : i1 to i32
    %sign3A_5 = arith.constant 0 : i32
    %sign3A_6 = arith.cmpi slt, %add3A, %sign3A_5 : i32
    %sign3A_7 = arith.extui %sign3A_6 : i1 to i32
    %sign3A_8 = arith.subi %sign3A_4, %sign3A_7 : i32
    %sign3A_9 = arith.constant 0 : i32
    %sign3A_10 = arith.cmpi sgt, %jit3A, %sign3A_9 : i32
    %sign3A_11 = arith.extui %sign3A_10 : i1 to i32
    %sign3A_12 = arith.constant 0 : i32
    %sign3A_13 = arith.cmpi slt, %jit3A, %sign3A_12 : i32
    %sign3A_14 = arith.extui %sign3A_13 : i1 to i32
    %sign3A_15 = arith.subi %sign3A_11, %sign3A_14 : i32
    %ne3A = arith.cmpi ne, %sign3A_8, %sign3A_15 : i32
    %rem3A = arith.remsi %add3A, %jit3A : i32
    %ne3A_16 = arith.constant 0 : i32
    %ne3A_17 = arith.cmpi ne, %rem3A, %ne3A_16 : i32
    %and3A = arith.andi %ne3A, %ne3A_17 : i1
    %sub3A = arith.constant 1 : i32
    %sub3A_18 = arith.subi %div3A, %sub3A : i32
    %select_n3A = arith.select %and3A, %sub3A_18, %div3A : i32
    %rem3A_19 = arith.constant 8 : i32
    %rem3A_20 = arith.remsi %add3A, %rem3A_19 : i32
    %mul3A_21 = arith.constant 256 : i32
    %mul3A_22 = arith.muli %rem3A_20, %mul3A_21 : i32
    "tpu.region"() ({
      %run_scoped3A = tpu.sem_alloc : memref<!tpu.dma_semaphore, #tpu.memory_space<semaphore_mem>>
      %dma_start3A_159 = arith.constant 0 : i32
      %dma_start3A_160 = tpu.memref_slice %arg9[%dma_start3A_159] : memref<272xi32, #tpu.memory_space<vmem>> -> memref<256xi32, #tpu.memory_space<vmem>>
      %dma_start3A_161 = tpu.memref_slice %arg3[%mul3A_2] : memref<8192xi32, #tpu.memory_space<hbm>> -> memref<256xi32, #tpu.memory_space<hbm>>
      %dma_start3A_162 = arith.constant 0 : i32
      %dma_start3A_163 = tpu.memref_slice %arg9[%dma_start3A_162] : memref<272xi32, #tpu.memory_space<vmem>> -> memref<256xi32, #tpu.memory_space<vmem>>
      %dma_start3A_164 = tpu.memref_slice %arg3[%mul3A_2] : memref<8192xi32, #tpu.memory_space<hbm>> -> memref<256xi32, #tpu.memory_space<hbm>>
      tpu.enqueue_dma source(%dma_start3A_164 : memref<256xi32, #tpu.memory_space<hbm>>) target(%dma_start3A_163 : memref<256xi32, #tpu.memory_space<vmem>>) target_semaphore(%run_scoped3A : memref<!tpu.dma_semaphore, #tpu.memory_space<semaphore_mem>>)
      %dma_wait3A = arith.constant 0 : i32
      %dma_wait3A_165 = tpu.memref_slice %arg9[%dma_wait3A] : memref<272xi32, #tpu.memory_space<vmem>> -> memref<256xi32, #tpu.memory_space<vmem>>
      %dma_wait3A_166 = tpu.memref_slice %arg3[%mul3A_2] : memref<8192xi32, #tpu.memory_space<hbm>> -> memref<256xi32, #tpu.memory_space<hbm>>
      %dma_wait3A_167 = arith.constant 0 : i32
      %dma_wait3A_168 = tpu.memref_slice %arg9[%dma_wait3A_167] : memref<272xi32, #tpu.memory_space<vmem>> -> memref<256xi32, #tpu.memory_space<vmem>>
      %dma_wait3A_169 = tpu.memref_slice %arg3[%mul3A_2] : memref<8192xi32, #tpu.memory_space<hbm>> -> memref<256xi32, #tpu.memory_space<hbm>>
      tpu.wait_dma2 semaphore(%run_scoped3A : memref<!tpu.dma_semaphore, #tpu.memory_space<semaphore_mem>>) src(%dma_wait3A_169 : memref<256xi32, #tpu.memory_space<hbm>>) dst(%dma_wait3A_168 : memref<256xi32, #tpu.memory_space<vmem>>)
      tpu.yield
    }) : () -> ()
    "tpu.region"() ({
      %run_scoped3A = tpu.sem_alloc : memref<!tpu.dma_semaphore, #tpu.memory_space<semaphore_mem>>
      %dma_start3A_159 = arith.constant 0 : i32
      %dma_start3A_160 = tpu.memref_slice %arg10[%dma_start3A_159] : memref<272xi32, #tpu.memory_space<vmem>> -> memref<256xi32, #tpu.memory_space<vmem>>
      %dma_start3A_161 = tpu.memref_slice %arg4[%mul3A_2] : memref<8192xi32, #tpu.memory_space<hbm>> -> memref<256xi32, #tpu.memory_space<hbm>>
      %dma_start3A_162 = arith.constant 0 : i32
      %dma_start3A_163 = tpu.memref_slice %arg10[%dma_start3A_162] : memref<272xi32, #tpu.memory_space<vmem>> -> memref<256xi32, #tpu.memory_space<vmem>>
      %dma_start3A_164 = tpu.memref_slice %arg4[%mul3A_2] : memref<8192xi32, #tpu.memory_space<hbm>> -> memref<256xi32, #tpu.memory_space<hbm>>
      tpu.enqueue_dma source(%dma_start3A_164 : memref<256xi32, #tpu.memory_space<hbm>>) target(%dma_start3A_163 : memref<256xi32, #tpu.memory_space<vmem>>) target_semaphore(%run_scoped3A : memref<!tpu.dma_semaphore, #tpu.memory_space<semaphore_mem>>)
      %dma_wait3A = arith.constant 0 : i32
      %dma_wait3A_165 = tpu.memref_slice %arg10[%dma_wait3A] : memref<272xi32, #tpu.memory_space<vmem>> -> memref<256xi32, #tpu.memory_space<vmem>>
      %dma_wait3A_166 = tpu.memref_slice %arg4[%mul3A_2] : memref<8192xi32, #tpu.memory_space<hbm>> -> memref<256xi32, #tpu.memory_space<hbm>>
      %dma_wait3A_167 = arith.constant 0 : i32
      %dma_wait3A_168 = tpu.memref_slice %arg10[%dma_wait3A_167] : memref<272xi32, #tpu.memory_space<vmem>> -> memref<256xi32, #tpu.memory_space<vmem>>
      %dma_wait3A_169 = tpu.memref_slice %arg4[%mul3A_2] : memref<8192xi32, #tpu.memory_space<hbm>> -> memref<256xi32, #tpu.memory_space<hbm>>
      tpu.wait_dma2 semaphore(%run_scoped3A : memref<!tpu.dma_semaphore, #tpu.memory_space<semaphore_mem>>) src(%dma_wait3A_169 : memref<256xi32, #tpu.memory_space<hbm>>) dst(%dma_wait3A_168 : memref<256xi32, #tpu.memory_space<vmem>>)
      tpu.yield
    }) : () -> ()
    "tpu.region"() ({
      %run_scoped3A = tpu.sem_alloc : memref<!tpu.dma_semaphore, #tpu.memory_space<semaphore_mem>>
      %dma_start3A_159 = arith.constant 0 : i32
      %dma_start3A_160 = tpu.memref_slice %arg5[%dma_start3A_159, %mul3A_22] : memref<64x2048xf32, #tpu.memory_space<hbm>> -> memref<64x256xf32, #tpu.memory_space<hbm>>
      %dma_start3A_161 = arith.constant 0 : i32
      %dma_start3A_162 = tpu.memref_slice %arg5[%dma_start3A_161, %mul3A_22] : memref<64x2048xf32, #tpu.memory_space<hbm>> -> memref<64x256xf32, #tpu.memory_space<hbm>>
      tpu.enqueue_dma source(%dma_start3A_162 : memref<64x256xf32, #tpu.memory_space<hbm>>) target(%arg13 : memref<64x256xf32, #tpu.memory_space<vmem>>) target_semaphore(%run_scoped3A : memref<!tpu.dma_semaphore, #tpu.memory_space<semaphore_mem>>)
      %dma_wait3A = arith.constant 0 : i32
      %dma_wait3A_163 = tpu.memref_slice %arg5[%dma_wait3A, %mul3A_22] : memref<64x2048xf32, #tpu.memory_space<hbm>> -> memref<64x256xf32, #tpu.memory_space<hbm>>
      %dma_wait3A_164 = arith.constant 0 : i32
      %dma_wait3A_165 = tpu.memref_slice %arg5[%dma_wait3A_164, %mul3A_22] : memref<64x2048xf32, #tpu.memory_space<hbm>> -> memref<64x256xf32, #tpu.memory_space<hbm>>
      tpu.wait_dma2 semaphore(%run_scoped3A : memref<!tpu.dma_semaphore, #tpu.memory_space<semaphore_mem>>) src(%dma_wait3A_165 : memref<64x256xf32, #tpu.memory_space<hbm>>) dst(%arg13 : memref<64x256xf32, #tpu.memory_space<vmem>>)
      tpu.yield
    }) : () -> ()
    "tpu.region"() ({
      %run_scoped3A = tpu.sem_alloc : memref<!tpu.dma_semaphore, #tpu.memory_space<semaphore_mem>>
      tpu.enqueue_dma source(%arg6 : memref<64xf32, #tpu.memory_space<hbm>>) target(%arg14 : memref<64xf32, #tpu.memory_space<vmem>>) target_semaphore(%run_scoped3A : memref<!tpu.dma_semaphore, #tpu.memory_space<semaphore_mem>>)
      tpu.wait_dma2 semaphore(%run_scoped3A : memref<!tpu.dma_semaphore, #tpu.memory_space<semaphore_mem>>) src(%arg6 : memref<64xf32, #tpu.memory_space<hbm>>) dst(%arg14 : memref<64xf32, #tpu.memory_space<vmem>>)
      tpu.yield
    }) : () -> ()
    "tpu.region"() ({
      %run_scoped3A = tpu.sem_alloc : memref<!tpu.dma_semaphore, #tpu.memory_space<semaphore_mem>>
      tpu.enqueue_dma source(%arg7 : memref<64xf32, #tpu.memory_space<hbm>>) target(%arg15 : memref<64xf32, #tpu.memory_space<vmem>>) target_semaphore(%run_scoped3A : memref<!tpu.dma_semaphore, #tpu.memory_space<semaphore_mem>>)
      tpu.wait_dma2 semaphore(%run_scoped3A : memref<!tpu.dma_semaphore, #tpu.memory_space<semaphore_mem>>) src(%arg7 : memref<64xf32, #tpu.memory_space<hbm>>) dst(%arg15 : memref<64xf32, #tpu.memory_space<vmem>>)
      tpu.yield
    }) : () -> ()
    %get3A = arith.constant 0 : index
    %get3A_23 = tpu.vector_load %arg9[%get3A] {strides = array<i32>} : memref<272xi32, #tpu.memory_space<vmem>>, vector<16xi32>,
    %slice3A = vector.extract_strided_slice %get3A_23 {offsets = [0], sizes = [1], strides = [1]} : vector<16xi32> to vector<1xi32>
    %squeeze3A = vector.extract %slice3A[0] : i32 from vector<1xi32>
    %mul3A_24 = arith.constant 128 : i32
    %mul3A_25 = arith.muli %squeeze3A, %mul3A_24 : i32
    %multiple_of3A = tpu.assume_multiple %mul3A_25, 128 : i32
    %dma_start3A = arith.constant 0 : i32
    %dma_start3A_26 = arith.constant 0 : i32
    %dma_start3A_27 = arith.constant 0 : i32
    %dma_start3A_28 = tpu.memref_slice %arg11[%dma_start3A, %dma_start3A_26, %dma_start3A_27] : memref<6x64x128xf32, #tpu.memory_space<vmem>> -> memref<1x64x128xf32, #tpu.memory_space<vmem>>
    %dma_start3A_29 = tpu.memref_squeeze %dma_start3A_28 : memref<1x64x128xf32, #tpu.memory_space<vmem>> -> memref<64x128xf32, #tpu.memory_space<vmem>>
    %dma_start3A_30 = arith.constant 0 : i32
    %dma_start3A_31 = tpu.memref_slice %arg2[%dma_start3A_30, %multiple_of3A] : memref<64x1000000xf32, #tpu.memory_space<hbm>> -> memref<64x128xf32, #tpu.memory_space<hbm>>
    %dma_start3A_32 = arith.constant 0 : i32
    %dma_start3A_33 = arith.constant 0 : i32
    %dma_start3A_34 = tpu.memref_slice %arg11[%dma_start3A, %dma_start3A_32, %dma_start3A_33] : memref<6x64x128xf32, #tpu.memory_space<vmem>> -> memref<1x64x128xf32, #tpu.memory_space<vmem>>
    %dma_start3A_35 = tpu.memref_squeeze %dma_start3A_34 : memref<1x64x128xf32, #tpu.memory_space<vmem>> -> memref<64x128xf32, #tpu.memory_space<vmem>>
    %dma_start3A_36 = arith.constant 0 : i32
    %dma_start3A_37 = tpu.memref_slice %arg2[%dma_start3A_36, %multiple_of3A] : memref<64x1000000xf32, #tpu.memory_space<hbm>> -> memref<64x128xf32, #tpu.memory_space<hbm>>
    tpu.enqueue_dma source(%dma_start3A_37 : memref<64x128xf32, #tpu.memory_space<hbm>>) target(%dma_start3A_35 : memref<64x128xf32, #tpu.memory_space<vmem>>) target_semaphore(%arg16 : memref<!tpu.dma_semaphore, #tpu.memory_space<semaphore_mem>>)
    %get3A_38 = arith.constant 1 : index
    %get3A_39 = tpu.vector_load %arg9[%get3A_38] {strides = array<i32>} : memref<272xi32, #tpu.memory_space<vmem>>, vector<16xi32>,
    %slice3A_40 = vector.extract_strided_slice %get3A_39 {offsets = [0], sizes = [1], strides = [1]} : vector<16xi32> to vector<1xi32>
    %squeeze3A_41 = vector.extract %slice3A_40[0] : i32 from vector<1xi32>
    %mul3A_42 = arith.constant 128 : i32
    %mul3A_43 = arith.muli %squeeze3A_41, %mul3A_42 : i32
    %multiple_of3A_44 = tpu.assume_multiple %mul3A_43, 128 : i32
    %dma_start3A_45 = arith.constant 1 : i32
    %dma_start3A_46 = arith.constant 0 : i32
    %dma_start3A_47 = arith.constant 0 : i32
    %dma_start3A_48 = tpu.memref_slice %arg11[%dma_start3A_45, %dma_start3A_46, %dma_start3A_47] : memref<6x64x128xf32, #tpu.memory_space<vmem>> -> memref<1x64x128xf32, #tpu.memory_space<vmem>>
    %dma_start3A_49 = tpu.memref_squeeze %dma_start3A_48 : memref<1x64x128xf32, #tpu.memory_space<vmem>> -> memref<64x128xf32, #tpu.memory_space<vmem>>
    %dma_start3A_50 = arith.constant 0 : i32
    %dma_start3A_51 = tpu.memref_slice %arg2[%dma_start3A_50, %multiple_of3A_44] : memref<64x1000000xf32, #tpu.memory_space<hbm>> -> memref<64x128xf32, #tpu.memory_space<hbm>>
    %dma_start3A_52 = arith.constant 0 : i32
    %dma_start3A_53 = arith.constant 0 : i32
    %dma_start3A_54 = tpu.memref_slice %arg11[%dma_start3A_45, %dma_start3A_52, %dma_start3A_53] : memref<6x64x128xf32, #tpu.memory_space<vmem>> -> memref<1x64x128xf32, #tpu.memory_space<vmem>>
    %dma_start3A_55 = tpu.memref_squeeze %dma_start3A_54 : memref<1x64x128xf32, #tpu.memory_space<vmem>> -> memref<64x128xf32, #tpu.memory_space<vmem>>
    %dma_start3A_56 = arith.constant 0 : i32
    %dma_start3A_57 = tpu.memref_slice %arg2[%dma_start3A_56, %multiple_of3A_44] : memref<64x1000000xf32, #tpu.memory_space<hbm>> -> memref<64x128xf32, #tpu.memory_space<hbm>>
    tpu.enqueue_dma source(%dma_start3A_57 : memref<64x128xf32, #tpu.memory_space<hbm>>) target(%dma_start3A_55 : memref<64x128xf32, #tpu.memory_space<vmem>>) target_semaphore(%arg16 : memref<!tpu.dma_semaphore, #tpu.memory_space<semaphore_mem>>)
    %get3A_58 = arith.constant 2 : index
    %get3A_59 = tpu.vector_load %arg9[%get3A_58] {strides = array<i32>} : memref<272xi32, #tpu.memory_space<vmem>>, vector<16xi32>,
    %slice3A_60 = vector.extract_strided_slice %get3A_59 {offsets = [0], sizes = [1], strides = [1]} : vector<16xi32> to vector<1xi32>
    %squeeze3A_61 = vector.extract %slice3A_60[0] : i32 from vector<1xi32>
    %mul3A_62 = arith.constant 128 : i32
    %mul3A_63 = arith.muli %squeeze3A_61, %mul3A_62 : i32
    %multiple_of3A_64 = tpu.assume_multiple %mul3A_63, 128 : i32
    %dma_start3A_65 = arith.constant 2 : i32
    %dma_start3A_66 = arith.constant 0 : i32
    %dma_start3A_67 = arith.constant 0 : i32
    %dma_start3A_68 = tpu.memref_slice %arg11[%dma_start3A_65, %dma_start3A_66, %dma_start3A_67] : memref<6x64x128xf32, #tpu.memory_space<vmem>> -> memref<1x64x128xf32, #tpu.memory_space<vmem>>
    %dma_start3A_69 = tpu.memref_squeeze %dma_start3A_68 : memref<1x64x128xf32, #tpu.memory_space<vmem>> -> memref<64x128xf32, #tpu.memory_space<vmem>>
    %dma_start3A_70 = arith.constant 0 : i32
    %dma_start3A_71 = tpu.memref_slice %arg2[%dma_start3A_70, %multiple_of3A_64] : memref<64x1000000xf32, #tpu.memory_space<hbm>> -> memref<64x128xf32, #tpu.memory_space<hbm>>
    %dma_start3A_72 = arith.constant 0 : i32
    %dma_start3A_73 = arith.constant 0 : i32
    %dma_start3A_74 = tpu.memref_slice %arg11[%dma_start3A_65, %dma_start3A_72, %dma_start3A_73] : memref<6x64x128xf32, #tpu.memory_space<vmem>> -> memref<1x64x128xf32, #tpu.memory_space<vmem>>
    %dma_start3A_75 = tpu.memref_squeeze %dma_start3A_74 : memref<1x64x128xf32, #tpu.memory_space<vmem>> -> memref<64x128xf32, #tpu.memory_space<vmem>>
    %dma_start3A_76 = arith.constant 0 : i32
    %dma_start3A_77 = tpu.memref_slice %arg2[%dma_start3A_76, %multiple_of3A_64] : memref<64x1000000xf32, #tpu.memory_space<hbm>> -> memref<64x128xf32, #tpu.memory_space<hbm>>
    tpu.enqueue_dma source(%dma_start3A_77 : memref<64x128xf32, #tpu.memory_space<hbm>>) target(%dma_start3A_75 : memref<64x128xf32, #tpu.memory_space<vmem>>) target_semaphore(%arg16 : memref<!tpu.dma_semaphore, #tpu.memory_space<semaphore_mem>>)
    %get3A_78 = arith.constant 3 : index
    %get3A_79 = tpu.vector_load %arg9[%get3A_78] {strides = array<i32>} : memref<272xi32, #tpu.memory_space<vmem>>, vector<16xi32>,
    %slice3A_80 = vector.extract_strided_slice %get3A_79 {offsets = [0], sizes = [1], strides = [1]} : vector<16xi32> to vector<1xi32>
    %squeeze3A_81 = vector.extract %slice3A_80[0] : i32 from vector<1xi32>
    %mul3A_82 = arith.constant 128 : i32
    %mul3A_83 = arith.muli %squeeze3A_81, %mul3A_82 : i32
    %multiple_of3A_84 = tpu.assume_multiple %mul3A_83, 128 : i32
    %dma_start3A_85 = arith.constant 3 : i32
    %dma_start3A_86 = arith.constant 0 : i32
    %dma_start3A_87 = arith.constant 0 : i32
    %dma_start3A_88 = tpu.memref_slice %arg11[%dma_start3A_85, %dma_start3A_86, %dma_start3A_87] : memref<6x64x128xf32, #tpu.memory_space<vmem>> -> memref<1x64x128xf32, #tpu.memory_space<vmem>>
    %dma_start3A_89 = tpu.memref_squeeze %dma_start3A_88 : memref<1x64x128xf32, #tpu.memory_space<vmem>> -> memref<64x128xf32, #tpu.memory_space<vmem>>
    %dma_start3A_90 = arith.constant 0 : i32
    %dma_start3A_91 = tpu.memref_slice %arg2[%dma_start3A_90, %multiple_of3A_84] : memref<64x1000000xf32, #tpu.memory_space<hbm>> -> memref<64x128xf32, #tpu.memory_space<hbm>>
    %dma_start3A_92 = arith.constant 0 : i32
    %dma_start3A_93 = arith.constant 0 : i32
    %dma_start3A_94 = tpu.memref_slice %arg11[%dma_start3A_85, %dma_start3A_92, %dma_start3A_93] : memref<6x64x128xf32, #tpu.memory_space<vmem>> -> memref<1x64x128xf32, #tpu.memory_space<vmem>>
    %dma_start3A_95 = tpu.memref_squeeze %dma_start3A_94 : memref<1x64x128xf32, #tpu.memory_space<vmem>> -> memref<64x128xf32, #tpu.memory_space<vmem>>
    %dma_start3A_96 = arith.constant 0 : i32
    %dma_start3A_97 = tpu.memref_slice %arg2[%dma_start3A_96, %multiple_of3A_84] : memref<64x1000000xf32, #tpu.memory_space<hbm>> -> memref<64x128xf32, #tpu.memory_space<hbm>>
    tpu.enqueue_dma source(%dma_start3A_97 : memref<64x128xf32, #tpu.memory_space<hbm>>) target(%dma_start3A_95 : memref<64x128xf32, #tpu.memory_space<vmem>>) target_semaphore(%arg16 : memref<!tpu.dma_semaphore, #tpu.memory_space<semaphore_mem>>)
    %get3A_98 = arith.constant 4 : index
    %get3A_99 = tpu.vector_load %arg9[%get3A_98] {strides = array<i32>} : memref<272xi32, #tpu.memory_space<vmem>>, vector<16xi32>,
    %slice3A_100 = vector.extract_strided_slice %get3A_99 {offsets = [0], sizes = [1], strides = [1]} : vector<16xi32> to vector<1xi32>
    %squeeze3A_101 = vector.extract %slice3A_100[0] : i32 from vector<1xi32>
    %mul3A_102 = arith.constant 128 : i32
    %mul3A_103 = arith.muli %squeeze3A_101, %mul3A_102 : i32
    %multiple_of3A_104 = tpu.assume_multiple %mul3A_103, 128 : i32
    %dma_start3A_105 = arith.constant 4 : i32
    %dma_start3A_106 = arith.constant 0 : i32
    %dma_start3A_107 = arith.constant 0 : i32
    %dma_start3A_108 = tpu.memref_slice %arg11[%dma_start3A_105, %dma_start3A_106, %dma_start3A_107] : memref<6x64x128xf32, #tpu.memory_space<vmem>> -> memref<1x64x128xf32, #tpu.memory_space<vmem>>
    %dma_start3A_109 = tpu.memref_squeeze %dma_start3A_108 : memref<1x64x128xf32, #tpu.memory_space<vmem>> -> memref<64x128xf32, #tpu.memory_space<vmem>>
    %dma_start3A_110 = arith.constant 0 : i32
    %dma_start3A_111 = tpu.memref_slice %arg2[%dma_start3A_110, %multiple_of3A_104] : memref<64x1000000xf32, #tpu.memory_space<hbm>> -> memref<64x128xf32, #tpu.memory_space<hbm>>
    %dma_start3A_112 = arith.constant 0 : i32
    %dma_start3A_113 = arith.constant 0 : i32
    %dma_start3A_114 = tpu.memref_slice %arg11[%dma_start3A_105, %dma_start3A_112, %dma_start3A_113] : memref<6x64x128xf32, #tpu.memory_space<vmem>> -> memref<1x64x128xf32, #tpu.memory_space<vmem>>
    %dma_start3A_115 = tpu.memref_squeeze %dma_start3A_114 : memref<1x64x128xf32, #tpu.memory_space<vmem>> -> memref<64x128xf32, #tpu.memory_space<vmem>>
    %dma_start3A_116 = arith.constant 0 : i32
    %dma_start3A_117 = tpu.memref_slice %arg2[%dma_start3A_116, %multiple_of3A_104] : memref<64x1000000xf32, #tpu.memory_space<hbm>> -> memref<64x128xf32, #tpu.memory_space<hbm>>
    tpu.enqueue_dma source(%dma_start3A_117 : memref<64x128xf32, #tpu.memory_space<hbm>>) target(%dma_start3A_115 : memref<64x128xf32, #tpu.memory_space<vmem>>) target_semaphore(%arg16 : memref<!tpu.dma_semaphore, #tpu.memory_space<semaphore_mem>>)
    %get3A_118 = arith.constant 5 : index
    %get3A_119 = tpu.vector_load %arg9[%get3A_118] {strides = array<i32>} : memref<272xi32, #tpu.memory_space<vmem>>, vector<16xi32>,
    %slice3A_120 = vector.extract_strided_slice %get3A_119 {offsets = [0], sizes = [1], strides = [1]} : vector<16xi32> to vector<1xi32>
    %squeeze3A_121 = vector.extract %slice3A_120[0] : i32 from vector<1xi32>
    %mul3A_122 = arith.constant 128 : i32
    %mul3A_123 = arith.muli %squeeze3A_121, %mul3A_122 : i32
    %multiple_of3A_124 = tpu.assume_multiple %mul3A_123, 128 : i32
    %dma_start3A_125 = arith.constant 5 : i32
    %dma_start3A_126 = arith.constant 0 : i32
    %dma_start3A_127 = arith.constant 0 : i32
    %dma_start3A_128 = tpu.memref_slice %arg11[%dma_start3A_125, %dma_start3A_126, %dma_start3A_127] : memref<6x64x128xf32, #tpu.memory_space<vmem>> -> memref<1x64x128xf32, #tpu.memory_space<vmem>>
    %dma_start3A_129 = tpu.memref_squeeze %dma_start3A_128 : memref<1x64x128xf32, #tpu.memory_space<vmem>> -> memref<64x128xf32, #tpu.memory_space<vmem>>
    %dma_start3A_130 = arith.constant 0 : i32
    %dma_start3A_131 = tpu.memref_slice %arg2[%dma_start3A_130, %multiple_of3A_124] : memref<64x1000000xf32, #tpu.memory_space<hbm>> -> memref<64x128xf32, #tpu.memory_space<hbm>>
    %dma_start3A_132 = arith.constant 0 : i32
    %dma_start3A_133 = arith.constant 0 : i32
    %dma_start3A_134 = tpu.memref_slice %arg11[%dma_start3A_125, %dma_start3A_132, %dma_start3A_133] : memref<6x64x128xf32, #tpu.memory_space<vmem>> -> memref<1x64x128xf32, #tpu.memory_space<vmem>>
    %dma_start3A_135 = tpu.memref_squeeze %dma_start3A_134 : memref<1x64x128xf32, #tpu.memory_space<vmem>> -> memref<64x128xf32, #tpu.memory_space<vmem>>
    %dma_start3A_136 = arith.constant 0 : i32
    %dma_start3A_137 = tpu.memref_slice %arg2[%dma_start3A_136, %multiple_of3A_124] : memref<64x1000000xf32, #tpu.memory_space<hbm>> -> memref<64x128xf32, #tpu.memory_space<hbm>>
    tpu.enqueue_dma source(%dma_start3A_137 : memref<64x128xf32, #tpu.memory_space<hbm>>) target(%dma_start3A_135 : memref<64x128xf32, #tpu.memory_space<vmem>>) target_semaphore(%arg16 : memref<!tpu.dma_semaphore, #tpu.memory_space<semaphore_mem>>)
    %iota3A = tpu.iota {dimensions = array<i32: 0>} : vector<16xi32>
    %get3A_138 = arith.constant 0 : index
    %get3A_139 = tpu.vector_load %arg14[%get3A_138] {strides = array<i32>} : memref<64xf32, #tpu.memory_space<vmem>>, vector<16xf32>,
    %get3A_140 = arith.constant 16 : index
    %get3A_141 = tpu.vector_load %arg14[%get3A_140] {strides = array<i32>} : memref<64xf32, #tpu.memory_space<vmem>>, vector<16xf32>,
    %get3A_142 = arith.constant 32 : index
    %get3A_143 = tpu.vector_load %arg14[%get3A_142] {strides = array<i32>} : memref<64xf32, #tpu.memory_space<vmem>>, vector<16xf32>,
    %get3A_144 = arith.constant 48 : index
    %get3A_145 = tpu.vector_load %arg14[%get3A_144] {strides = array<i32>} : memref<64xf32, #tpu.memory_space<vmem>>, vector<16xf32>,
    %get3A_146 = arith.constant 0 : index
    %get3A_147 = tpu.vector_load %arg15[%get3A_146] {strides = array<i32>} : memref<64xf32, #tpu.memory_space<vmem>>, vector<16xf32>,
    %get3A_148 = arith.constant 16 : index
    %get3A_149 = tpu.vector_load %arg15[%get3A_148] {strides = array<i32>} : memref<64xf32, #tpu.memory_space<vmem>>, vector<16xf32>,
    %get3A_150 = arith.constant 32 : index
    %get3A_151 = tpu.vector_load %arg15[%get3A_150] {strides = array<i32>} : memref<64xf32, #tpu.memory_space<vmem>>, vector<16xf32>,
    %get3A_152 = arith.constant 48 : index
    %get3A_153 = tpu.vector_load %arg15[%get3A_152] {strides = array<i32>} : memref<64xf32, #tpu.memory_space<vmem>>, vector<16xf32>,
    %scan3A = arith.constant 0 : i32
    %scan3A_154 = arith.constant 0 : i32
    %scan3A_155 = arith.constant 256 : i32
    %scan3A_156 = arith.addi %scan3A_154, %scan3A_155 : i32
    %scan3A_157 = arith.constant 1 : i32
    scf.for %scan3A_159 = %scan3A_154 to %scan3A_156 step %scan3A_157  : i32 {
      %rem3A_160 = arith.constant 6 : i32
      %rem3A_161 = arith.remsi %scan3A_159, %rem3A_160 : i32
      %dma_wait3A = arith.constant 0 : i32
      %dma_wait3A_162 = arith.constant 0 : i32
      %dma_wait3A_163 = tpu.memref_slice %arg11[%rem3A_161, %dma_wait3A, %dma_wait3A_162] : memref<6x64x128xf32, #tpu.memory_space<vmem>> -> memref<1x64x128xf32, #tpu.memory_space<vmem>>
      %dma_wait3A_164 = tpu.memref_squeeze %dma_wait3A_163 : memref<1x64x128xf32, #tpu.memory_space<vmem>> -> memref<64x128xf32, #tpu.memory_space<vmem>>
      %dma_wait3A_165 = arith.constant 0 : i32
      %dma_wait3A_166 = arith.constant 0 : i32
      %dma_wait3A_167 = tpu.memref_slice %arg2[%dma_wait3A_165, %dma_wait3A_166] : memref<64x1000000xf32, #tpu.memory_space<hbm>> -> memref<64x128xf32, #tpu.memory_space<hbm>>
      %dma_wait3A_168 = arith.constant 0 : i32
      %dma_wait3A_169 = arith.constant 0 : i32
      %dma_wait3A_170 = tpu.memref_slice %arg11[%rem3A_161, %dma_wait3A_168, %dma_wait3A_169] : memref<6x64x128xf32, #tpu.memory_space<vmem>> -> memref<1x64x128xf32, #tpu.memory_space<vmem>>
      %dma_wait3A_171 = tpu.memref_squeeze %dma_wait3A_170 : memref<1x64x128xf32, #tpu.memory_space<vmem>> -> memref<64x128xf32, #tpu.memory_space<vmem>>
      %dma_wait3A_172 = arith.constant 0 : i32
      %dma_wait3A_173 = arith.constant 0 : i32
      %dma_wait3A_174 = tpu.memref_slice %arg2[%dma_wait3A_172, %dma_wait3A_173] : memref<64x1000000xf32, #tpu.memory_space<hbm>> -> memref<64x128xf32, #tpu.memory_space<hbm>>
      tpu.wait_dma2 semaphore(%arg16 : memref<!tpu.dma_semaphore, #tpu.memory_space<semaphore_mem>>) src(%dma_wait3A_174 : memref<64x128xf32, #tpu.memory_space<hbm>>) dst(%dma_wait3A_171 : memref<64x128xf32, #tpu.memory_space<vmem>>)
      %get3A_175 = arith.index_cast %scan3A_159 : i32 to index
      %get3A_176 = tpu.vector_load %arg10[%get3A_175] {strides = array<i32>} : memref<272xi32, #tpu.memory_space<vmem>>, vector<16xi32>,
      %slice3A_177 = vector.extract_strided_slice %get3A_176 {offsets = [0], sizes = [1], strides = [1]} : vector<16xi32> to vector<1xi32>
      %squeeze3A_178 = vector.extract %slice3A_177[0] : i32 from vector<1xi32>
      %broadcast_in_dim3A = vector.broadcast %squeeze3A_178 : i32 to vector<16xi32>
      %broadcast_in_dim3A_179 = vector.broadcast %rem3A_161 : i32 to vector<16xi32>
      %broadcast_in_dim3A_180 = vector.broadcast %scan3A_159 : i32 to vector<16xi32>
      %add3A_181 = arith.constant 0 : i32
      %add3A_182 = vector.broadcast %add3A_181 : i32 to vector<16xi32>
      %add3A_183 = arith.addi %iota3A, %add3A_182 : vector<16xi32>
      %gather3A = tpu.vector_load_idx %arg11[%broadcast_in_dim3A_179, %add3A_183, %broadcast_in_dim3A] : memref<6x64x128xf32, #tpu.memory_space<vmem>>[vector<16xi32>, vector<16xi32>, vector<16xi32>], vector<16xf32>,
      %add3A_184 = arith.constant 0 : i32
      %add3A_185 = vector.broadcast %add3A_184 : i32 to vector<16xi32>
      %add3A_186 = arith.addi %iota3A, %add3A_185 : vector<16xi32>
      %gather3A_187 = tpu.vector_load_idx %arg13[%add3A_186, %broadcast_in_dim3A_180] : memref<64x256xf32, #tpu.memory_space<vmem>>[vector<16xi32>, vector<16xi32>], vector<16xf32>,
      %add3A_188 = arith.addf %gather3A, %gather3A_187 : vector<16xf32>
      %add3A_189 = arith.constant 16 : i32
      %add3A_190 = vector.broadcast %add3A_189 : i32 to vector<16xi32>
      %add3A_191 = arith.addi %iota3A, %add3A_190 : vector<16xi32>
      %gather3A_192 = tpu.vector_load_idx %arg11[%broadcast_in_dim3A_179, %add3A_191, %broadcast_in_dim3A] : memref<6x64x128xf32, #tpu.memory_space<vmem>>[vector<16xi32>, vector<16xi32>, vector<16xi32>], vector<16xf32>,
      %add3A_193 = arith.constant 16 : i32
      %add3A_194 = vector.broadcast %add3A_193 : i32 to vector<16xi32>
      %add3A_195 = arith.addi %iota3A, %add3A_194 : vector<16xi32>
      %gather3A_196 = tpu.vector_load_idx %arg13[%add3A_195, %broadcast_in_dim3A_180] : memref<64x256xf32, #tpu.memory_space<vmem>>[vector<16xi32>, vector<16xi32>], vector<16xf32>,
      %add3A_197 = arith.addf %gather3A_192, %gather3A_196 : vector<16xf32>
      %add3A_198 = arith.constant 32 : i32
      %add3A_199 = vector.broadcast %add3A_198 : i32 to vector<16xi32>
      %add3A_200 = arith.addi %iota3A, %add3A_199 : vector<16xi32>
      %gather3A_201 = tpu.vector_load_idx %arg11[%broadcast_in_dim3A_179, %add3A_200, %broadcast_in_dim3A] : memref<6x64x128xf32, #tpu.memory_space<vmem>>[vector<16xi32>, vector<16xi32>, vector<16xi32>], vector<16xf32>,
      %add3A_202 = arith.constant 32 : i32
      %add3A_203 = vector.broadcast %add3A_202 : i32 to vector<16xi32>
      %add3A_204 = arith.addi %iota3A, %add3A_203 : vector<16xi32>
      %gather3A_205 = tpu.vector_load_idx %arg13[%add3A_204, %broadcast_in_dim3A_180] : memref<64x256xf32, #tpu.memory_space<vmem>>[vector<16xi32>, vector<16xi32>], vector<16xf32>,
      %add3A_206 = arith.addf %gather3A_201, %gather3A_205 : vector<16xf32>
      %add3A_207 = arith.constant 48 : i32
      %add3A_208 = vector.broadcast %add3A_207 : i32 to vector<16xi32>
      %add3A_209 = arith.addi %iota3A, %add3A_208 : vector<16xi32>
      %gather3A_210 = tpu.vector_load_idx %arg11[%broadcast_in_dim3A_179, %add3A_209, %broadcast_in_dim3A] : memref<6x64x128xf32, #tpu.memory_space<vmem>>[vector<16xi32>, vector<16xi32>, vector<16xi32>], vector<16xf32>,
      %add3A_211 = arith.constant 48 : i32
      %add3A_212 = vector.broadcast %add3A_211 : i32 to vector<16xi32>
      %add3A_213 = arith.addi %iota3A, %add3A_212 : vector<16xi32>
      %gather3A_214 = tpu.vector_load_idx %arg13[%add3A_213, %broadcast_in_dim3A_180] : memref<64x256xf32, #tpu.memory_space<vmem>>[vector<16xi32>, vector<16xi32>], vector<16xf32>,
      %add3A_215 = arith.addf %gather3A_210, %gather3A_214 : vector<16xf32>
      %add3A_216 = arith.addf %add3A_188, %add3A_197 : vector<16xf32>
      %add3A_217 = arith.addf %add3A_216, %add3A_206 : vector<16xf32>
      %add3A_218 = arith.addf %add3A_217, %add3A_215 : vector<16xf32>
      %reduce_sum3A = arith.constant true
      %reduce_sum3A_219 = vector.broadcast %reduce_sum3A : i1 to vector<16xi1>
      %reduce_sum3A_220 = tpu.scan <sum>, %add3A_218 masked %reduce_sum3A_219 : vector<16xf32>, vector<16xi1> -> vector<16xf32>
      %reduce_sum3A_221 = vector.extract %reduce_sum3A_220[15] : f32 from vector<16xf32>
      %mul3A_222 = arith.constant 1.562500e-02 : f32
      %mul3A_223 = arith.mulf %reduce_sum3A_221, %mul3A_222 : f32
      %broadcast_in_dim3A_224 = vector.broadcast %mul3A_223 : f32 to vector<16xf32>
      %sub3A_225 = arith.subf %add3A_188, %broadcast_in_dim3A_224 : vector<16xf32>
      %sub3A_226 = arith.subf %add3A_197, %broadcast_in_dim3A_224 : vector<16xf32>
      %sub3A_227 = arith.subf %add3A_206, %broadcast_in_dim3A_224 : vector<16xf32>
      %sub3A_228 = arith.subf %add3A_215, %broadcast_in_dim3A_224 : vector<16xf32>
      %mul3A_229 = arith.mulf %sub3A_225, %sub3A_225 : vector<16xf32>
      %mul3A_230 = arith.mulf %sub3A_226, %sub3A_226 : vector<16xf32>
      %add3A_231 = arith.addf %mul3A_229, %mul3A_230 : vector<16xf32>
      %mul3A_232 = arith.mulf %sub3A_227, %sub3A_227 : vector<16xf32>
      %add3A_233 = arith.addf %add3A_231, %mul3A_232 : vector<16xf32>
      %mul3A_234 = arith.mulf %sub3A_228, %sub3A_228 : vector<16xf32>
      %add3A_235 = arith.addf %add3A_233, %mul3A_234 : vector<16xf32>
      %reduce_sum3A_236 = arith.constant true
      %reduce_sum3A_237 = vector.broadcast %reduce_sum3A_236 : i1 to vector<16xi1>
      %reduce_sum3A_238 = tpu.scan <sum>, %add3A_235 masked %reduce_sum3A_237 : vector<16xf32>, vector<16xi1> -> vector<16xf32>
      %reduce_sum3A_239 = vector.extract %reduce_sum3A_238[15] : f32 from vector<16xf32>
      %mul3A_240 = arith.constant 1.562500e-02 : f32
      %mul3A_241 = arith.mulf %reduce_sum3A_239, %mul3A_240 : f32
      %add3A_242 = arith.constant 1.000000e-10 : f32
      %add3A_243 = arith.addf %mul3A_241, %add3A_242 : f32
      %broadcast_in_dim3A_244 = vector.broadcast %add3A_243 : f32 to vector<16xf32>
      %bitcast3A = vector.bitcast %broadcast_in_dim3A_244 : vector<16xf32> to vector<16xi32>
      %shift_right_arithmetic3A = arith.constant 1 : i32
      %shift_right_arithmetic3A_245 = vector.broadcast %shift_right_arithmetic3A : i32 to vector<16xi32>
      %shift_right_arithmetic3A_246 = arith.shrsi %bitcast3A, %shift_right_arithmetic3A_245 : vector<16xi32>
      %sub3A_247 = arith.constant 1597463007 : i32
      %sub3A_248 = vector.broadcast %sub3A_247 : i32 to vector<16xi32>
      %sub3A_249 = arith.subi %sub3A_248, %shift_right_arithmetic3A_246 : vector<16xi32>
      %bitcast3A_250 = vector.bitcast %sub3A_249 : vector<16xi32> to vector<16xf32>
      %mul3A_251 = arith.constant 5.000000e-01 : f32
      %mul3A_252 = vector.broadcast %mul3A_251 : f32 to vector<16xf32>
      %mul3A_253 = arith.mulf %broadcast_in_dim3A_244, %mul3A_252 : vector<16xf32>
      %mul3A_254 = arith.mulf %mul3A_253, %bitcast3A_250 : vector<16xf32>
      %mul3A_255 = arith.mulf %mul3A_254, %bitcast3A_250 : vector<16xf32>
      %sub3A_256 = arith.constant 1.500000e+00 : f32
      %sub3A_257 = vector.broadcast %sub3A_256 : f32 to vector<16xf32>
      %sub3A_258 = arith.subf %sub3A_257, %mul3A_255 : vector<16xf32>
      %mul3A_259 = arith.mulf %bitcast3A_250, %sub3A_258 : vector<16xf32>
      %mul3A_260 = arith.mulf %mul3A_253, %mul3A_259 : vector<16xf32>
      %mul3A_261 = arith.mulf %mul3A_260, %mul3A_259 : vector<16xf32>
      %sub3A_262 = arith.constant 1.500000e+00 : f32
      %sub3A_263 = vector.broadcast %sub3A_262 : f32 to vector<16xf32>
      %sub3A_264 = arith.subf %sub3A_263, %mul3A_261 : vector<16xf32>
      %mul3A_265 = arith.mulf %mul3A_259, %sub3A_264 : vector<16xf32>
      %mul3A_266 = arith.mulf %mul3A_253, %mul3A_265 : vector<16xf32>
      %mul3A_267 = arith.mulf %mul3A_266, %mul3A_265 : vector<16xf32>
      %sub3A_268 = arith.constant 1.500000e+00 : f32
      %sub3A_269 = vector.broadcast %sub3A_268 : f32 to vector<16xf32>
      %sub3A_270 = arith.subf %sub3A_269, %mul3A_267 : vector<16xf32>
      %mul3A_271 = arith.mulf %mul3A_265, %sub3A_270 : vector<16xf32>
      %mul3A_272 = arith.mulf %sub3A_225, %mul3A_271 : vector<16xf32>
      %mul3A_273 = arith.mulf %mul3A_272, %get3A_139 : vector<16xf32>
      %add3A_274 = arith.addf %mul3A_273, %get3A_147 : vector<16xf32>
      %add3A_275 = arith.constant 0 : i32
      %add3A_276 = vector.broadcast %add3A_275 : i32 to vector<16xi32>
      %add3A_277 = arith.addi %iota3A, %add3A_276 : vector<16xi32>
      tpu.vector_store_idx %arg12[%add3A_277, %broadcast_in_dim3A_180], %add3A_274 : memref<64x256xf32, #tpu.memory_space<vmem>>[vector<16xi32>, vector<16xi32>], vector<16xf32>,
      %mul3A_278 = arith.mulf %sub3A_226, %mul3A_271 : vector<16xf32>
      %mul3A_279 = arith.mulf %mul3A_278, %get3A_141 : vector<16xf32>
      %add3A_280 = arith.addf %mul3A_279, %get3A_149 : vector<16xf32>
      %add3A_281 = arith.constant 16 : i32
      %add3A_282 = vector.broadcast %add3A_281 : i32 to vector<16xi32>
      %add3A_283 = arith.addi %iota3A, %add3A_282 : vector<16xi32>
      tpu.vector_store_idx %arg12[%add3A_283, %broadcast_in_dim3A_180], %add3A_280 : memref<64x256xf32, #tpu.memory_space<vmem>>[vector<16xi32>, vector<16xi32>], vector<16xf32>,
      %mul3A_284 = arith.mulf %sub3A_227, %mul3A_271 : vector<16xf32>
      %mul3A_285 = arith.mulf %mul3A_284, %get3A_143 : vector<16xf32>
      %add3A_286 = arith.addf %mul3A_285, %get3A_151 : vector<16xf32>
      %add3A_287 = arith.constant 32 : i32
      %add3A_288 = vector.broadcast %add3A_287 : i32 to vector<16xi32>
      %add3A_289 = arith.addi %iota3A, %add3A_288 : vector<16xi32>
      tpu.vector_store_idx %arg12[%add3A_289, %broadcast_in_dim3A_180], %add3A_286 : memref<64x256xf32, #tpu.memory_space<vmem>>[vector<16xi32>, vector<16xi32>], vector<16xf32>,
      %mul3A_290 = arith.mulf %sub3A_228, %mul3A_271 : vector<16xf32>
      %mul3A_291 = arith.mulf %mul3A_290, %get3A_145 : vector<16xf32>
      %add3A_292 = arith.addf %mul3A_291, %get3A_153 : vector<16xf32>
      %add3A_293 = arith.constant 48 : i32
      %add3A_294 = vector.broadcast %add3A_293 : i32 to vector<16xi32>
      %add3A_295 = arith.addi %iota3A, %add3A_294 : vector<16xi32>
      tpu.vector_store_idx %arg12[%add3A_295, %broadcast_in_dim3A_180], %add3A_292 : memref<64x256xf32, #tpu.memory_space<vmem>>[vector<16xi32>, vector<16xi32>], vector<16xf32>,
      %add3A_296 = arith.constant 6 : i32
      %add3A_297 = arith.addi %scan3A_159, %add3A_296 : i32
      %lt3A = arith.constant 256 : i32
      %lt3A_298 = arith.cmpi slt, %add3A_297, %lt3A : i32
      %convert_element_type3A = arith.extui %lt3A_298 : i1 to i32
      %cond3A = arith.constant 0 : i32
      %cond3A_299 = arith.cmpi ne, %convert_element_type3A, %cond3A : i32
      scf.if %cond3A_299 {
        %rem3A_300 = arith.constant 6 : i32
        %rem3A_301 = arith.remsi %add3A_297, %rem3A_300 : i32
        %get3A_302 = arith.index_cast %add3A_297 : i32 to index
        %get3A_303 = tpu.vector_load %arg9[%get3A_302] {strides = array<i32>} : memref<272xi32, #tpu.memory_space<vmem>>, vector<16xi32>,
        %slice3A_304 = vector.extract_strided_slice %get3A_303 {offsets = [0], sizes = [1], strides = [1]} : vector<16xi32> to vector<1xi32>
        %squeeze3A_305 = vector.extract %slice3A_304[0] : i32 from vector<1xi32>
        %mul3A_306 = arith.constant 128 : i32
        %mul3A_307 = arith.muli %squeeze3A_305, %mul3A_306 : i32
        %multiple_of3A_308 = tpu.assume_multiple %mul3A_307, 128 : i32
        %dma_start3A_309 = arith.constant 0 : i32
        %dma_start3A_310 = arith.constant 0 : i32
        %dma_start3A_311 = tpu.memref_slice %arg11[%rem3A_301, %dma_start3A_309, %dma_start3A_310] : memref<6x64x128xf32, #tpu.memory_space<vmem>> -> memref<1x64x128xf32, #tpu.memory_space<vmem>>
        %dma_start3A_312 = tpu.memref_squeeze %dma_start3A_311 : memref<1x64x128xf32, #tpu.memory_space<vmem>> -> memref<64x128xf32, #tpu.memory_space<vmem>>
        %dma_start3A_313 = arith.constant 0 : i32
        %dma_start3A_314 = tpu.memref_slice %arg2[%dma_start3A_313, %multiple_of3A_308] : memref<64x1000000xf32, #tpu.memory_space<hbm>> -> memref<64x128xf32, #tpu.memory_space<hbm>>
        %dma_start3A_315 = arith.constant 0 : i32
        %dma_start3A_316 = arith.constant 0 : i32
        %dma_start3A_317 = tpu.memref_slice %arg11[%rem3A_301, %dma_start3A_315, %dma_start3A_316] : memref<6x64x128xf32, #tpu.memory_space<vmem>> -> memref<1x64x128xf32, #tpu.memory_space<vmem>>
        %dma_start3A_318 = tpu.memref_squeeze %dma_start3A_317 : memref<1x64x128xf32, #tpu.memory_space<vmem>> -> memref<64x128xf32, #tpu.memory_space<vmem>>
        %dma_start3A_319 = arith.constant 0 : i32
        %dma_start3A_320 = tpu.memref_slice %arg2[%dma_start3A_319, %multiple_of3A_308] : memref<64x1000000xf32, #tpu.memory_space<hbm>> -> memref<64x128xf32, #tpu.memory_space<hbm>>
        tpu.enqueue_dma source(%dma_start3A_320 : memref<64x128xf32, #tpu.memory_space<hbm>>) target(%dma_start3A_318 : memref<64x128xf32, #tpu.memory_space<vmem>>) target_semaphore(%arg16 : memref<!tpu.dma_semaphore, #tpu.memory_space<semaphore_mem>>)
      } else {
      }
    }
    %scan3A_158 = arith.constant 256 : i32
    "tpu.region"() ({
      %run_scoped3A = tpu.sem_alloc : memref<!tpu.dma_semaphore, #tpu.memory_space<semaphore_mem>>
      %dma_start3A_159 = arith.constant 0 : i32
      %dma_start3A_160 = arith.constant 0 : i32
      %dma_start3A_161 = tpu.memref_slice %arg8[%select_n3A, %dma_start3A_159, %dma_start3A_160] : memref<4x64x2048xf32, #tpu.memory_space<hbm>> -> memref<1x64x2048xf32, #tpu.memory_space<hbm>>
      %dma_start3A_162 = tpu.memref_squeeze %dma_start3A_161 : memref<1x64x2048xf32, #tpu.memory_space<hbm>> -> memref<64x2048xf32, #tpu.memory_space<hbm>>
      %dma_start3A_163 = arith.constant 0 : i32
      %dma_start3A_164 = tpu.memref_slice %dma_start3A_162[%dma_start3A_163, %mul3A_22] : memref<64x2048xf32, #tpu.memory_space<hbm>> -> memref<64x256xf32, #tpu.memory_space<hbm>>
      %dma_start3A_165 = arith.constant 0 : i32
      %dma_start3A_166 = arith.constant 0 : i32
      %dma_start3A_167 = tpu.memref_slice %arg8[%select_n3A, %dma_start3A_165, %dma_start3A_166] : memref<4x64x2048xf32, #tpu.memory_space<hbm>> -> memref<1x64x2048xf32, #tpu.memory_space<hbm>>
      %dma_start3A_168 = tpu.memref_squeeze %dma_start3A_167 : memref<1x64x2048xf32, #tpu.memory_space<hbm>> -> memref<64x2048xf32, #tpu.memory_space<hbm>>
      %dma_start3A_169 = arith.constant 0 : i32
      %dma_start3A_170 = tpu.memref_slice %dma_start3A_168[%dma_start3A_169, %mul3A_22] : memref<64x2048xf32, #tpu.memory_space<hbm>> -> memref<64x256xf32, #tpu.memory_space<hbm>>
      tpu.enqueue_dma source(%arg12 : memref<64x256xf32, #tpu.memory_space<vmem>>) target(%dma_start3A_170 : memref<64x256xf32, #tpu.memory_space<hbm>>) target_semaphore(%run_scoped3A : memref<!tpu.dma_semaphore, #tpu.memory_space<semaphore_mem>>)
      %dma_wait3A = arith.constant 0 : i32
      %dma_wait3A_171 = arith.constant 0 : i32
      %dma_wait3A_172 = tpu.memref_slice %arg8[%select_n3A, %dma_wait3A, %dma_wait3A_171] : memref<4x64x2048xf32, #tpu.memory_space<hbm>> -> memref<1x64x2048xf32, #tpu.memory_space<hbm>>
      %dma_wait3A_173 = tpu.memref_squeeze %dma_wait3A_172 : memref<1x64x2048xf32, #tpu.memory_space<hbm>> -> memref<64x2048xf32, #tpu.memory_space<hbm>>
      %dma_wait3A_174 = arith.constant 0 : i32
      %dma_wait3A_175 = tpu.memref_slice %dma_wait3A_173[%dma_wait3A_174, %mul3A_22] : memref<64x2048xf32, #tpu.memory_space<hbm>> -> memref<64x256xf32, #tpu.memory_space<hbm>>
      %dma_wait3A_176 = arith.constant 0 : i32
      %dma_wait3A_177 = arith.constant 0 : i32
      %dma_wait3A_178 = tpu.memref_slice %arg8[%select_n3A, %dma_wait3A_176, %dma_wait3A_177] : memref<4x64x2048xf32, #tpu.memory_space<hbm>> -> memref<1x64x2048xf32, #tpu.memory_space<hbm>>
      %dma_wait3A_179 = tpu.memref_squeeze %dma_wait3A_178 : memref<1x64x2048xf32, #tpu.memory_space<hbm>> -> memref<64x2048xf32, #tpu.memory_space<hbm>>
      %dma_wait3A_180 = arith.constant 0 : i32
      %dma_wait3A_181 = tpu.memref_slice %dma_wait3A_179[%dma_wait3A_180, %mul3A_22] : memref<64x2048xf32, #tpu.memory_space<hbm>> -> memref<64x256xf32, #tpu.memory_space<hbm>>
      tpu.wait_dma2 semaphore(%run_scoped3A : memref<!tpu.dma_semaphore, #tpu.memory_space<semaphore_mem>>) src(%arg12 : memref<64x256xf32, #tpu.memory_space<vmem>>) dst(%dma_wait3A_181 : memref<64x256xf32, #tpu.memory_space<hbm>>)
      tpu.yield
    }) : () -> ()
    return
  }
}

</mosaic_0001>

<sc_bundles>
// kernel: kernel.3.cloned.1.call-start
scs
__scs_entry_jumppad:
0x0: {  	(pc) =	sbr.rel $0x88, $3  }
0x1: {  	(tag) =	ssettag $0x0;
	lr =	simm.s32 $0x1  }
0x2: {  	[smem:$0x3F9D] =	sst lr;
	_ =	strace $0xD0000000  }
0x3: {  	_ = 	snop  }
0x4: {  	_ = 	snop  }
0x5: {  	_ = 	snop  }
0x6: {  	_ = 	snop  }
0x7: {  	_ = 	snop  }
__scs_overlays_trampoline_lowered:
0x8: {  	[smem:$0x3FAC] =	sst s0  }
0x9: {  	[smem:$0x3FAD] =	sst s1  }
0xa: {  	[smem:$0x3FAE] =	sst s2  }
0xb: {  	[smem:$0x3FAF] =	sst s3  }
0xc: {  	[smem:$0x3FB0] =	sst s4  }
0xd: {  	[smem:$0x3FB1] =	sst s5  }
0xe: {  	[smem:$0x3FB2] =	sst s6  }
0xf: {  	[smem:$0x3FB3] =	sst s7  }
0x10: {  	[smem:$0x3FB4] =	sst s8  }
0x11: {  	[smem:$0x3FB5] =	sst s9;
	s0 =	simm.s32 @!p0 $0x0  }
0x12: {  	s1 =	sld [smem:$0x3F9B];
	s0 =	simm.s32 @p0 $0x1  }
0x13: {  	[smem:$0x3FB6] =	sst s0;
	s0 =	simm.s32 @!p1 $0x0  }
0x14: {  	s2 =	sld [smem:$0x3F9A];
	s0 =	simm.s32 @p1 $0x1  }
0x15: {  	[smem:$0x3FB7] =	sst s0;
	s0 =	simm.s32 @!p2 $0x0  }
0x16: {  	s3 =	sld [smem:$0x3FDB];
	s0 =	simm.s32 @p2 $0x1  }
0x17: {  	s4 =	simm.s32 $0x1BF5;
	[smem:$0x3FB9] =	sst s0  }
0x18: {  	s0 =	sld [smem:$0x3F9C];
	_ =	swait.ge [sflag:s4], $0x0  }
0x19: {  	s7 =	sld [smem:$0x3F9D]  }
0x1a: {  	s8 =	sadd.s32 $0xFFFFE003, lr  }
0x1b: {  	s9 =	sadd.s32 $0xFFFFFEF7, lr;
	s5 =	simm.s32 $0xFFFFFFFF;
	p2 =	slt.u32 s8, $0xFFFFF086  }
0x1c: {  	p1 =	slt.u32 s9, $0xF7A;
	s5 =	simm.s32 @!p2 $0x0  }
0x1d: {  	s5 =	simm.s32 @p1 $0x1;
	p0 =	seq.s32 s7, s2  }
0x1e: {  	s7 =	smul.u32 @!p0 $0xF7A, s2;
	p2 =	seq.s32 @!p0 s5, $0x0  }
0x1f: {  	s9 =	smul.u32 $0xF7A, s1;
	s8 =	simm.s32 @!p0 $0x1BF5;
	p2 =	por !p2, p0  }
0x20: {  	[sflag:s8] =	ssyncset.s32 @!p0 $0xFFFFF086;
	s6 =	sadd.s32 @!p0 s3, s7;
	s7 =	simm.s32 @!p0 $0x108  }
0x21: {  	s3 =	sadd.s32 s3, s9;
	s6 =	sadd.s32 @!p0 $0x88, s6;
	s7 =	simm.s32 @p2 $0x1082  }
0x22: {  	[simem:s7], [sflag:s8] =	dma.local @!p0 [hbm:s6], $0xF7A  }
0x23: {  	s9 =	sor.u32 $0xD0000000, s2;
	s6 =	simm.s32 $0x108;
	_ =	swait.ge @!p0 [sflag:s8], $0x0  }
0x24: {  	s3 =	sadd.s32 $0x88, s3;
	s6 =	simm.s32 @!p1 $0x1082;
	[sflag:s4] =	ssyncset.s32 $0xFFFFF086  }
0x25: {  	[simem:s6], [sflag:s4] =	dma.local [hbm:s3], $0xF7A  }
0x26: {  	[smem:$0x3F9D] =	sst s1;
	(tag) =	ssettag s2;
	_ =	strace s9  }
0x27: {  	s1 =	sld [smem:$0x3FAD]  }
0x28: {  	s2 =	sld [smem:$0x3FAE]  }
0x29: {  	s4 =	sld [smem:$0x3FB0]  }
0x2a: {  	p0 =	seq.s32 s5, $0x0;
	s5 =	sld [smem:$0x3FB1]  }
0x2b: {  	s6 =	sld [smem:$0x3FB2]  }
0x2c: {  	s7 =	sld [smem:$0x3FB3]  }
0x2d: {  	s3 =	simm.s32 $0x108;
	s8 =	sld [smem:$0x3FB4]  }
0x2e: {  	s3 =	simm.s32 @!p0 $0x1082;
	s9 =	sld [smem:$0x3FB5]  }
0x2f: {  	lr =	sadd.s32 s0, s3;
	s0 =	sld [smem:$0x3FAC]  }
0x30: {  	s3 =	sld [smem:$0x3FAF]  }
0x31: {  	[smem:$0x3FB8] =	sst s10  }
0x32: {  	s10 =	sld [smem:$0x3FB6];
	_ =	sdelay $0x3  }
0x33: {  	p0 =	seq.s32 s10, $0x1;
	s10 =	sld [smem:$0x3FB8];
	_ =	sdelay $0x3  }
0x34: {  	[smem:$0x3FB8] =	sst s10  }
0x35: {  	s10 =	sld [smem:$0x3FB7];
	_ =	sdelay $0x3  }
0x36: {  	p1 =	seq.s32 s10, $0x1;
	s10 =	sld [smem:$0x3FB8];
	_ =	sdelay $0x3  }
0x37: {  	[smem:$0x3FB8] =	sst s10  }
0x38: {  	s10 =	sld [smem:$0x3FB9]  }
0x39: {  	_ = 	snop;
	(pc) =	sbr.ind lr, $3  }
0x3a: {  	_ = 	snop  }
0x3b: {  	_ = 	snop  }
0x3c: {  	p2 =	seq.s32 s10, $0x1;
	s10 =	sld [smem:$0x3FB8]  }
0x3d: {  	_ =	shalt  }
0x3e: {  	_ =	shalt  }
0x3f: {  	_ =	shalt  }
0x40: {  	_ =	shalt  }
0x41: {  	_ =	shalt  }
0x42: {  	_ =	shalt  }
0x43: {  	_ =	shalt  }
0x44: {  	_ =	shalt  }
0x45: {  	_ =	shalt  }
0x46: {  	_ =	shalt  }
0x47: {  	_ =	shalt  }
0x48: {  	_ =	shalt  }
0x49: {  	_ =	shalt  }
0x4a: {  	_ =	shalt  }
0x4b: {  	_ =	shalt  }
0x4c: {  	_ =	shalt  }
0x4d: {  	_ =	shalt  }
0x4e: {  	_ =	shalt  }
0x4f: {  	_ =	shalt  }
0x50: {  	_ =	shalt  }
0x51: {  	_ =	shalt  }
0x52: {  	_ =	shalt  }
0x53: {  	_ =	shalt  }
0x54: {  	_ =	shalt  }
0x55: {  	_ =	shalt  }
0x56: {  	_ =	shalt  }
0x57: {  	_ =	shalt  }
0x58: {  	_ =	shalt  }
0x59: {  	_ =	shalt  }
0x5a: {  	_ =	shalt  }
0x5b: {  	_ =	shalt  }
0x5c: {  	_ =	shalt  }
0x5d: {  	_ =	shalt  }
0x5e: {  	_ =	shalt  }
0x5f: {  	_ =	shalt  }
0x60: {  	_ =	shalt  }
0x61: {  	_ =	shalt  }
0x62: {  	_ =	shalt  }
0x63: {  	_ =	shalt  }
0x64: {  	_ =	shalt  }
0x65: {  	_ =	shalt  }
0x66: {  	_ =	shalt  }
0x67: {  	_ =	shalt  }
0x68: {  	_ =	shalt  }
0x69: {  	_ =	shalt  }
0x6a: {  	_ =	shalt  }
0x6b: {  	_ =	shalt  }
0x6c: {  	_ =	shalt  }
0x6d: {  	_ =	shalt  }
0x6e: {  	_ =	shalt  }
0x6f: {  	_ =	shalt  }
0x70: {  	_ =	shalt  }
0x71: {  	_ =	shalt  }
0x72: {  	_ =	shalt  }
0x73: {  	_ =	shalt  }
0x74: {  	_ =	shalt  }
0x75: {  	_ =	shalt  }
0x76: {  	_ =	shalt  }
0x77: {  	_ =	shalt  }
0x78: {  	_ =	shalt  }
0x79: {  	_ =	shalt  }
0x7a: {  	_ =	shalt  }
0x7b: {  	_ =	shalt  }
0x7c: {  	_ =	shalt  }
0x7d: {  	_ =	shalt  }
0x7e: {  	_ =	shalt  }
0x7f: {  	_ =	shalt  }
0x80: {  	_ =	shalt  }
0x81: {  	_ =	shalt  }
0x82: {  	_ =	shalt  }
0x83: {  	_ =	shalt  }
0x84: {  	_ =	shalt  }
0x85: {  	_ =	shalt  }
0x86: {  	_ =	shalt  }
0x87: {  	_ =	shalt  }
.Lfunc_end0:
.L_simem_size_0:
called_computation_lowered:
.L_overlay_start_0:
0x88: {  	s2 =	sld [smem:$0x3FD9]  }
0x89: {  	s3 =	sld [smem:$0x3FFE];
	_ =	sdelay $0x1  }
0x8a: {  	s1 =	srdreg.scid  }
0x8b: {  	s0 =	sand.u32 $0x1, s1  }
0x8c: {  	s17 =	sshll.u32 s0, $0xA;
	s2 =	sadd.s32 s3, s2  }
0x8d: {  	s2 =	sadd.s32 s2, s17  }
0x8e: {  	[smem:$0x3FC4] =	sst s2  }
0x8f: {  	_ = 	snop  }
0x90: {  	s2 =	sld [smem:$0x3FC8]  }
0x91: {  	s18 =	sld [smem:$0x3FC7]  }
0x92: {  	s4 =	sld [smem:$0x3FC6]  }
0x93: {  	s5 =	sld [smem:$0x3FD0];
	(tm) =	ssettm $0x1  }
0x94: {  	s6 =	sld [smem:$0x3FFB];
	_ =	sdelay $0x3  }
0x95: {  	_ =	strace s6  }
0x96: {  	s6 =	sld [smem:$0x3FFC];
	_ =	sdelay $0x3  }
0x97: {  	_ =	strace s6  }
0x98: {  	s6 =	sld [smem:$0x3FFD];
	_ =	sdelay $0x3  }
0x99: {  	_ =	strace s6  }
0x9a: {  	_ =	strace $0x8FFFFFFF  }
0x9b: {  	s19 =	sld [smem:$0x3FDB];
	_ =	sdelay $0x1  }
0x9c: {  	s7 =	simm.s32 $_scs_section_size  }
0x9d: {  	s8 =	simm.s32 $_size__tile_overlayer_lowered;
	s9 =	simm.s32 $_tile_overlayer_lowered  }
0x9e: {  	s22 =	simm.s32 $0x1BFF;
	s21 =	sshll.u32 s9, $0x1;
	s6 =	sadd.s32 s7, s19  }
0x9f: {  	s10 =	simm.s32 $0x0;
	s20 =	sshll.u32 s8, $0x1;
	s8 =	sadd.s32 s21, s6  }
0xa0: {  	[timem:s10], [sflag:s22] =	dma.local [hbm:s8], s20  }
0xa1: {  	_ =	swait.ge [sflag:s22], s20  }
0xa2: {  	s7 =	ssub.s32 $0x0, s20;
	[sflag:s22] =	ssyncset.done $0x0  }
0xa3: {  	[sflag:s22] =	ssyncadd.s32 s7;
	_ =	sdelay $0x1  }
0xa4: {  	s23 =	simm.s32 $0x1B8B  }
0xa5: {  	_ =	swait.ge [sflag:s23], $0x1  }
0xa6: {  	[sflag:s23] =	ssyncset.done $0x0  }
0xa7: {  	s25 =	simm.s32 $0x1B8E;
	s24 =	sld [smem:$0x3FFE];
	[sflag:s23] =	ssyncadd.s32 $0xFFFFFFFF  }
0xa8: {  	s26 =	simm.s32 $execute0_lowered;
	[smem:$0x3FD2] =	sst s25  }
0xa9: {  	s8 =	sshll.u32 s26, $0x1;
	_ =	strace $0x80000046;
	[dreg:$0x1] =	wrdreg $0xFFFFFFFF  }
0xaa: {  	s28 =	simm.s32 $_size_execute0_lowered;
	s6 =	sadd.s32 s6, s8;
	[dreg:$0x0] =	wrdreg $0x0  }
0xab: {  	s8 =	sshll.u32 s28, $0x1;
	[dreg:$0x2] =	wrdreg s6  }
0xac: {  	[dreg:$0x3] =	wrdreg s8  }
0xad: {  	[dreg:$0x4] =	wrdreg $0xC0  }
0xae: {  	_ =	task [dreg:s10], $0x5FFFF  }
0xaf: {  	[dreg:$0x1] =	wrdreg $0xFFFFFFFF  }
0xb0: {  	[dreg:$0x0] =	wrdreg $0x60  }
0xb1: {  	[dreg:$0x2] =	wrdreg s2  }
0xb2: {  	[dreg:$0x3] =	wrdreg s24  }
0xb3: {  	[dreg:$0x4] =	wrdreg s18  }
0xb4: {  	[dreg:$0x5] =	wrdreg s4  }
0xb5: {  	[dreg:$0x6] =	wrdreg s5  }
0xb6: {  	[dreg:$0x7] =	wrdreg $0x9  }
0xb7: {  	_ =	task.clear_ibuf [dreg:s10], $0x8FFFF;
	_ =	strace $0x90000046  }
0xb8: {  	s29 =	simm.s32 $0x9;
	_ =	strace $0x80000048  }
0xb9: {  	_ =	swait.ge [sflag:s29], $0x1  }
0xba: {  	[sflag:s29] =	ssyncadd.s32 $0xFFFFFFFF  }
0xbb: {  	_ =	strace $0x90000048  }
0xbc: {  	_ =	sfence  }
0xbd: {  	s30 =	sld [smem:$0x0];
	_ =	sdelay $0x2  }
0xbe: {  	s31 =	sshll.u32 s1, $0xD;
	s1 =	sshrl.u32 s1, $0x2  }
0xbf: {  	s3 =	sand.u32 $0x4000, s31;
	s1 =	sadd.s32 s1, s30  }
0xc0: {  	s0 =	sor.u32 s3, s0;
	s1 =	sshll.u32 s1, $0x11  }
0xc1: {  	s0 =	sor.u32 s1, s0  }
0xc2: {  	s0 =	sadd.s32 $0x8F2B, s0  }
0xc3: {  	[sflag:s0] =	ssyncadd.remote.s32 $0x1  }
0xc4: {  	_ =	sfence.sel $0xFFFF  }
0xc5: {  	[dreg:$0x0] =	wrdreg $0xFFFFFFFF;
	(pc) =	sbr.abs _section_cstart, $3  }
0xc6: {  	[dreg:$0x1] =	wrdreg $0xFFFFFFFF  }
0xc7: {  	_ =	task.clear_ibuf [dreg:s10], $0x2FFFF;
	_ =	strace $0x9FFFFFFF  }
0xc8: {  	(tm) =	ssettm $0x7FFFFFFF  }
0xc9: {  	_ =	shalt  }
tec
execute0_lowered:
.L_overlay_start_1:
0x0: {  	(tag) =	ssettag $0x1  }
0x1: {  	v0 =	vimm.s32 $0xB80;
	vm14 =	vcmask $0x300;
	vm13 =	vcmask $0x704  }
0x2: {  	vm12 =	vcmask $0xB08;
	vm11 =	vcmask $0xF0C;
	vm10 =	vcmask $0x1310  }
0x3: {  	vm9 =	vcmask $0x1714;
	vm8 =	vcmask $0x1B18;
	vm7 =	vcmask $0x1F1C  }
0x4: {  	vm6 =	vcmask $0x2320;
	vm5 =	vcmask $0x2724;
	vm4 =	vcmask $0x2B28  }
0x5: {  	vm3 =	vcmask $0x2F2C;
	v1 =	vlaneseq.u32;
	vm2 =	vcmask $0x3330  }
0x6: {  	vm1 =	vcmask $0x3734;
	vm0 =	vcmask $0x3B38;
	v3 =	vimm.s32 $0x1B80  }
0x7: {  	v4 =	vimm.s32 $0x2B80;
	v5 =	vimm.s32 $0x3B80;
	v0 =	vsel vm14, $0x0, v0  }
0x8: {  	v3 =	vsel vm14, $0x1000, v3;
	v4 =	vsel vm14, $0x2000, v4;
	v5 =	vsel vm14, $0x3000, v5  }
0x9: {  	v0 =	vsel vm13, $0x80, v0;
	v3 =	vsel vm13, $0x1080, v3;
	v4 =	vsel vm13, $0x2080, v4  }
0xa: {  	v5 =	vsel vm13, $0x3080, v5;
	v0 =	vsel vm12, $0x100, v0;
	v3 =	vsel vm12, $0x1100, v3  }
0xb: {  	v4 =	vsel vm12, $0x2100, v4;
	v5 =	vsel vm12, $0x3100, v5;
	v0 =	vsel vm11, $0x180, v0  }
0xc: {  	v3 =	vsel vm11, $0x1180, v3;
	v4 =	vsel vm11, $0x2180, v4;
	v5 =	vsel vm11, $0x3180, v5  }
0xd: {  	s0 =	rddreg [dreg:$0x0];
	v0 =	vsel vm10, $0x200, v0;
	v3 =	vsel vm10, $0x1200, v3;
	v4 =	vsel vm10, $0x2200, v4  }
0xe: {  	s3 =	rddreg [dreg:$0x1];
	v5 =	vsel vm10, $0x3200, v5;
	v0 =	vsel vm9, $0x280, v0;
	v3 =	vsel vm9, $0x1280, v3  }
0xf: {  	s4 =	rddreg [dreg:$0x4];
	v4 =	vsel vm9, $0x2280, v4;
	v5 =	vsel vm9, $0x3280, v5;
	v0 =	vsel vm8, $0x300, v0  }
0x10: {  	s5 =	simm.s32 $0x0;
	s6 =	srdreg.scid;
	s1 =	stileid.u32;
	v3 =	vsel vm8, $0x1300, v3;
	v4 =	vsel vm8, $0x2300, v4;
	v5 =	vsel vm8, $0x3300, v5  }
0x11: {  	s11 =	simm.s32 $0x4000;
	s12 =	simm.s32 $0x10300;
	s15 =	simm.s32 $0x400;
	v0 =	vsel vm7, $0x380, v0;
	v3 =	vsel vm7, $0x1380, v3;
	v4 =	vsel vm7, $0x2380, v4  }
0x12: {  	s16 =	simm.s32 $0x2;
	s17 =	simm.s32 $0x7A1400;
	s18 =	simm.s32 $0x300;
	v5 =	vsel vm7, $0x3380, v5;
	v0 =	vsel vm6, $0x800, v0;
	v3 =	vsel vm6, $0x1800, v3  }
0x13: {  	s19 =	simm.s32 $0x2300;
	s20 =	simm.s32 $0x4300;
	s21 =	simm.s32 $0x6300;
	v4 =	vsel vm6, $0x2800, v4;
	v5 =	vsel vm6, $0x3800, v5;
	v0 =	vsel vm5, $0x880, v0  }
0x14: {  	s22 =	simm.s32 $0x8300;
	s23 =	simm.s32 $0xA300;
	s25 =	simm.s32 $0x1;
	v3 =	vsel vm5, $0x1880, v3;
	v4 =	vsel vm5, $0x2880, v4;
	v5 =	vsel vm5, $0x3880, v5  }
0x15: {  	s26 =	simm.s32 $0xC300;
	s28 =	simm.s32 $0x0;
	[smem:$0x7FF] =	sst s5;
	v0 =	vsel vm4, $0x900, v0;
	v3 =	vsel vm4, $0x1900, v3;
	v4 =	vsel vm4, $0x2900, v4  }
0x16: {  	s6 =	sand.u32 $0x1, s6;
	s7 =	sshll.u32 s1, $0x1;
	s10 =	sshll.u32 s1, $0xC;
	v5 =	vsel vm4, $0x3900, v5;
	v2 =	vsel vm3, $0x980, v0;
	v0 =	vmul.u32 $0x80, v1  }
0x17: {  	_ =	strace $0x80000047;
	s7 =	sor.u32 s6, s7;
	s6 =	ssub.s32 $0x2, s6;
	v3 =	vsel vm3, $0x1980, v3;
	v4 =	vsel vm3, $0x2980, v4;
	v5 =	vsel vm3, $0x3980, v5  }
0x18: {  	s10 =	sand.u32 $0xC000, s10;
	s8 =	sshll.u32 s7, $0x5;
	s7 =	sshll.u32 s7, $0x8;
	v1 =	vsel vm2, $0xA00, v2;
	v3 =	vsel vm2, $0x1A00, v3;
	v6 =	vsel vm2, $0x2A00, v4  }
0x19: {  	s30 =	sshrl.u32 s6, $0x1;
	s31 =	sadd.s32 s4, s10;
	s10 =	simm.s32 $0x800;
	v5 =	vsel vm2, $0x3A00, v5;
	v1 =	vsel vm1, $0xA80, v1;
	v2 =	vor.u32 $0x800, v0  }
0x1a: {  	s8 =	sadd.s32 s8, s3;
	s24 =	sand.u32 $0x700, s7;
	s9 =	ssub.s32 s6, s30;
	v3 =	vsel vm1, $0x1A80, v3;
	v4 =	vor.u32 $0x1000, v0;
	v6 =	vsel vm1, $0x2A80, v6  }
0x1b: {  	s3 =	sadd.s32 s24, s3;
	s6 =	sadd.s32 $0xA00, s8;
	s7 =	sadd.s32 $0x600, s8;
	v7 =	vsel vm1, $0x3A80, v5;
	v1 =	vsel vm0, $0xB00, v1;
	v3 =	vsel vm0, $0x1B00, v3  }
0x1c: {  	s9 =	smax.u32 s9, $0x1;
	s24 =	sadd.s32 s24, s31;
	s8 =	sadd.s32 $0xE00, s3;
	v5 =	vsel vm0, $0x2B00, v6;
	v6 =	vor.u32 $0x1800, v0;
	v7 =	vsel vm0, $0x3B00, v7  }
.LBB2_1:
0x1d: {  	[tilespmem:s5], [sflag:$0x2] =	stream.linear.gather [hbm4b:s6+s5], $0x100, $0x38;
	[tilespmem:$0x14400] =	vst v63  }
0x1e: {  	_ =	swait.ge [sflag:s16], $0x100  }
0x1f: {  	[sflag:s16] =	ssyncset.done $0x0  }
0x20: {  	s29 =	simm.s32 $0x180;
	[sflag:s16] =	ssyncadd.s32 $0xFFFFFF00  }
0x21: {  	[tilespmem:s29], [sflag:$0x2] =	stream.linear.gather [hbm4b:s7+s5], $0x100, $0x38;
	[tilespmem:$0x14400] =	vst v63  }
0x22: {  	_ =	swait.ge [sflag:s16], $0x100  }
0x23: {  	[sflag:s16] =	ssyncset.done $0x0  }
0x24: {  	[sflag:s16] =	ssyncadd.s32 $0xFFFFFF00  }
0x25: {  	[tilespmem:s12], [sflag:$0x2] =	stream.strided.gather [hbm4b:s8+s10], $0x4000, s11, s10, $0x38;
	[tilespmem:$0x14400] =	vst v63  }
0x26: {  	_ =	swait.ge [sflag:s16], $0x4000  }
0x27: {  	[sflag:s16] =	ssyncset.done $0x0  }
0x28: {  	[sflag:s16] =	ssyncadd.s32 $0xFFFFC000  }
0x29: {  	s2 =	simm.s32 $0x14300;
	s1 =	rddreg [dreg:$0x2]  }
0x2a: {  	[tilespmem:s2], [sflag:$0x2] =	stream.linear.gather [hbm4b:s1+s5], $0x80, $0x38;
	[tilespmem:$0x14400] =	vst v63  }
0x2b: {  	_ =	swait.ge [sflag:s16], $0x80  }
0x2c: {  	[sflag:s16] =	ssyncset.done $0x0  }
0x2d: {  	[sflag:s16] =	ssyncadd.s32 $0xFFFFFF80  }
0x2e: {  	s3 =	simm.s32 $0x14380;
	s2 =	rddreg [dreg:$0x3]  }
0x2f: {  	[tilespmem:s3], [sflag:$0x2] =	stream.linear.gather [hbm4b:s2+s5], $0x80, $0x38;
	[tilespmem:$0x14400] =	vst v63  }
0x30: {  	_ =	swait.ge [sflag:s16], $0x80  }
0x31: {  	[sflag:s16] =	ssyncset.done $0x0  }
0x32: {  	[sflag:s16] =	ssyncadd.s32 $0xFFFFFF80  }
0x33: {  	v8 =	vld [tilespmem:$0x0];
	_ =	sdelay $0x4  }
0x34: {  	(v2sf) =	vpush v8, $0x0;
	_ =	sdelay $0xe  }
0x35: {  	s3 =	spop (v2sf)  }
0x36: {  	s3 =	sshll.u32 s3, $0x7  }
0x37: {  	s3 =	sand.u32 $0x1FFFFF80, s3  }
0x38: {  	s3 =	sadd.s32 s0, s3  }
0x39: {  	[tilespmem:s18], [sflag:$0x1] =	stream.strided.gather [hbm4b:s3+s15], $0x2000, s17, s15, $0x38;
	[tilespmem:$0x14400] =	vst v63  }
0x3a: {  	v8 =	vld [tilespmem:$0x1];
	_ =	sdelay $0x4  }
0x3b: {  	(v2sf) =	vpush v8, $0x0;
	_ =	sdelay $0xe  }
0x3c: {  	s4 =	spop (v2sf)  }
0x3d: {  	s3 =	sshll.u32 s4, $0x7  }
0x3e: {  	s3 =	sand.u32 $0x1FFFFF80, s3  }
0x3f: {  	s3 =	sadd.s32 s0, s3  }
0x40: {  	[tilespmem:s19], [sflag:$0x1] =	stream.strided.gather [hbm4b:s3+s15], $0x2000, s17, s15, $0x38;
	[tilespmem:$0x14400] =	vst v63  }
0x41: {  	v8 =	vld [tilespmem:$0x2];
	_ =	sdelay $0x4  }
0x42: {  	(v2sf) =	vpush v8, $0x0;
	_ =	sdelay $0xe  }
0x43: {  	s13 =	spop (v2sf)  }
0x44: {  	s3 =	sshll.u32 s13, $0x7  }
0x45: {  	s3 =	sand.u32 $0x1FFFFF80, s3  }
0x46: {  	s3 =	sadd.s32 s0, s3  }
0x47: {  	[tilespmem:s20], [sflag:$0x1] =	stream.strided.gather [hbm4b:s3+s15], $0x2000, s17, s15, $0x38;
	[tilespmem:$0x14400] =	vst v63  }
0x48: {  	v8 =	vld [tilespmem:$0x3];
	_ =	sdelay $0x4  }
0x49: {  	(v2sf) =	vpush v8, $0x0;
	_ =	sdelay $0xe  }
0x4a: {  	s14 =	spop (v2sf)  }
0x4b: {  	s3 =	sshll.u32 s14, $0x7  }
0x4c: {  	s3 =	sand.u32 $0x1FFFFF80, s3  }
0x4d: {  	s3 =	sadd.s32 s0, s3  }
0x4e: {  	[tilespmem:s21], [sflag:$0x1] =	stream.strided.gather [hbm4b:s3+s15], $0x2000, s17, s15, $0x38;
	[tilespmem:$0x14400] =	vst v63  }
0x4f: {  	v8 =	vld [tilespmem:$0x4];
	_ =	sdelay $0x4  }
0x50: {  	(v2sf) =	vpush v8, $0x0;
	_ =	sdelay $0xe  }
0x51: {  	s1 =	spop (v2sf)  }
0x52: {  	s3 =	sshll.u32 s1, $0x7  }
0x53: {  	s3 =	sand.u32 $0x1FFFFF80, s3  }
0x54: {  	s3 =	sadd.s32 s0, s3  }
0x55: {  	[tilespmem:s22], [sflag:$0x1] =	stream.strided.gather [hbm4b:s3+s15], $0x2000, s17, s15, $0x38;
	[tilespmem:$0x14400] =	vst v63  }
0x56: {  	v8 =	vld [tilespmem:$0x5];
	_ =	sdelay $0x4  }
0x57: {  	(v2sf) =	vpush v8, $0x0;
	_ =	sdelay $0xe  }
0x58: {  	s2 =	spop (v2sf)  }
0x59: {  	s3 =	sshll.u32 s2, $0x7  }
0x5a: {  	s3 =	sand.u32 $0x1FFFFF80, s3  }
0x5b: {  	s3 =	sadd.s32 s0, s3  }
0x5c: {  	[tilespmem:s23], [sflag:$0x1] =	stream.strided.gather [hbm4b:s3+s15], $0x2000, s17, s15, $0x38;
	[tilespmem:$0x14400] =	vst v63  }
0x5d: {  	v8 =	vld [tilespmem:$0x14300]  }
0x5e: {  	v9 =	vld [tilespmem:$0x14310]  }
0x5f: {  	v10 =	vld [tilespmem:$0x14320]  }
0x60: {  	v11 =	vld [tilespmem:$0x14330]  }
0x61: {  	v12 =	vld [tilespmem:$0x14380]  }
0x62: {  	v13 =	vld [tilespmem:$0x14390]  }
0x63: {  	v14 =	vld [tilespmem:$0x143A0]  }
0x64: {  	s4 =	smul.u32 $0xAB, s5;
	v15 =	vld [tilespmem:$0x143B0];
	_ =	swait.ge [sflag:s25], $0x2000  }
0x65: {  	[sflag:s25] =	ssyncset.done $0x0  }
0x66: {  	s3 =	sshrl.u32 s4, $0xA;
	[sflag:s25] =	ssyncadd.s32 $0xFFFFE000  }
0x67: {  	s3 =	sand.u32 $0x3F, s3;
	v16 =	vld.msk [tilespmem:s29+$0x0 ss:$0x0], $0xffff  }
0x68: {  	s3 =	smul.u32 $0x6, s3  }
0x69: {  	v17 =	vmov s5  }
0x6a: {  	v18 =	vshll.u32 v17, $0x3;
	s3 =	ssub.s32 $0x0, s3  }
0x6b: {  	v17 =	vand.u32 $0x7F, v17;
	v18 =	vand.u32 $0x400, v18;
	s3 =	sand.u32 $0xFF, s3  }
0x6c: {  	v17 =	vor.u32 v17, v18;
	s3 =	sshll.u32 s3, $0xD;
	v53 =	vand.u32 $0xFFFFFF80, v16  }
0x6d: {  	v19 =	vor.u32 v3, v17;
	v16 =	vand.u32 $0x7F, v16;
	v18 =	vadd.s32 s3, v53  }
0x6e: {  	v20 =	vor.u32 v1, v17;
	v16 =	vor.u32 v16, v18  }
0x6f: {  	v18 =	vadd.s32 v0, v16  }
0x70: {  	v21 =	vadd.s32 v2, v16  }
0x71: {  	v22 =	vor.u32 v5, v17  }
0x72: {  	v23 =	vld.idx.msk [tilespmem:v19+s12+$0x0], $0xffff;
	v24 =	vadd.s32 v4, v16  }
0x73: {  	v17 =	vor.u32 v7, v17;
	v25 =	vld.idx.msk [tilespmem:v20+s12+$0x0], $0xffff  }
0x74: {  	v16 =	vadd.s32 v6, v16;
	v18 =	vld.idx.msk [tilespmem:v18+s18+$0x0], $0xffff  }
0x75: {  	v21 =	vld.idx.msk [tilespmem:v21+s18+$0x0], $0xffff  }
0x76: {  	v26 =	vld.idx.msk [tilespmem:v22+s12+$0x0], $0xffff  }
0x77: {  	v24 =	vld.idx.msk [tilespmem:v24+s18+$0x0], $0xffff  }
0x78: {  	v27 =	vld.idx.msk [tilespmem:v17+s12+$0x0], $0xffff  }
0x79: {  	v16 =	vld.idx.msk [tilespmem:v16+s18+$0x0], $0xffff  }
0x7a: {  	v18 =	vadd.f32 v25, v18;
	v21 =	vadd.f32 v23, v21;
	_ =	sdelay $0x1  }
0x7b: {  	v54 =	vadd.f32 v26, v24;
	v55 =	vadd.f32 v21, v18;
	_ =	sdelay $0x1  }
0x7c: {  	v16 =	vadd.f32 v27, v16;
	v24 =	vadd.f32 v54, v55;
	_ =	sdelay $0x1  }
0x7d: {  	v24 =	vadd.f32 v16, v24;
	_ =	sdelay $0x1  }
0x7e: {  	(xrf2) =	vadd.scan.msk.f32 $0xffff, v24;
	_ =	sdelay $0x9  }
0x7f: {  	v24, _, _ =	vpop (xrf2)  }
0x80: {  	(v2sf) =	vpush v24, $0xF;
	_ =	sdelay $0xe  }
0x81: {  	s13 =	spop (v2sf)  }
0x82: {  	s3 =	smul.f32 $1.562500000e-02, s13;
	_ =	sdelay $0x1  }
0x83: {  	v56 =	vmov s3  }
0x84: {  	v18 =	vsub.f32 v18, v56;
	v21 =	vsub.f32 v21, v56;
	_ =	sdelay $0x1  }
0x85: {  	v23 =	vsub.f32 v54, v56;
	v57 =	vmul.f32 v18, v18;
	v58 =	vmul.f32 v21, v21;
	_ =	sdelay $0x1  }
0x86: {  	v16 =	vsub.f32 v16, v56;
	v59 =	vmul.f32 v23, v23;
	v25 =	vadd.f32 v58, v57;
	_ =	sdelay $0x1  }
0x87: {  	v60 =	vmul.f32 v16, v16;
	v24 =	vadd.f32 v25, v59;
	_ =	sdelay $0x1  }
0x88: {  	v24 =	vadd.f32 v24, v60;
	_ =	sdelay $0x1  }
0x89: {  	(xrf2) =	vadd.scan.msk.f32 $0xffff, v24;
	_ =	sdelay $0x9  }
0x8a: {  	v24, _, _ =	vpop (xrf2)  }
0x8b: {  	(v2sf) =	vpush v24, $0xF;
	_ =	sdelay $0xe  }
0x8c: {  	s14 =	spop (v2sf)  }
0x8d: {  	s3 =	smul.f32 $1.562500000e-02, s14;
	_ =	sdelay $0x1  }
0x8e: {  	s3 =	sadd.f32 $1.000000010e-10, s3;
	_ =	sdelay $0x1  }
0x8f: {  	v61 =	vmov s3  }
0x90: {  	v62 =	vshra.s32 v61, $0x1;
	v24 =	vmul.f32 $5.000000000e-01, v61  }
0x91: {  	v25 =	vsub.s32 $0x5F3759DF, v62  }
0x92: {  	v63 =	vmul.f32 v25, v24;
	_ =	sdelay $0x1  }
0x93: {  	v26 =	vmul.f32 v25, v63;
	_ =	sdelay $0x1  }
0x94: {  	v26 =	vsub.f32 $1.500000000e+00, v26;
	_ =	sdelay $0x1  }
0x95: {  	v25 =	vmul.f32 v25, v26;
	_ =	sdelay $0x1  }
0x96: {  	v26 =	vmul.f32 v25, v24;
	_ =	sdelay $0x1  }
0x97: {  	v26 =	vmul.f32 v26, v25;
	_ =	sdelay $0x1  }
0x98: {  	v26 =	vsub.f32 $1.500000000e+00, v26;
	_ =	sdelay $0x1  }
0x99: {  	v25 =	vmul.f32 v26, v25;
	_ =	sdelay $0x1  }
0x9a: {  	v24 =	vmul.f32 v25, v24;
	_ =	sdelay $0x1  }
0x9b: {  	v24 =	vmul.f32 v24, v25;
	_ =	sdelay $0x1  }
0x9c: {  	v24 =	vsub.f32 $1.500000000e+00, v24;
	_ =	sdelay $0x1  }
0x9d: {  	v24 =	vmul.f32 v24, v25;
	_ =	sdelay $0x1  }
0x9e: {  	v18 =	vmul.f32 v24, v18  }
0x9f: {  	v21 =	vmul.f32 v24, v21  }
0xa0: {  	v23 =	vmul.f32 v24, v23;
	v18 =	vmul.f32 v18, v8  }
0xa1: {  	v16 =	vmul.f32 v24, v16;
	v21 =	vmul.f32 v21, v9  }
0xa2: {  	v23 =	vmul.f32 v23, v10;
	v18 =	vadd.f32 v18, v12  }
0xa3: {  	v16 =	vmul.f32 v16, v11;
	v21 =	vadd.f32 v21, v13  }
0xa4: {  	v23 =	vadd.f32 v23, v14;
	[tilespmem:v20+s26+$0x0] =	vst.idx.msk $0xffff, v18  }
0xa5: {  	v16 =	vadd.f32 v16, v15;
	[tilespmem:v19+s26+$0x0] =	vst.idx.msk $0xffff, v21  }
0xa6: {  	p1 =	por $0x0, $0x0;
	[tilespmem:v22+s26+$0x0] =	vst.idx.msk $0xffff, v23  }
0xa7: {  	s30 =	simm.s32 $0x6;
	s3 =	simm.s32 @!p1 $0x6;
	[tilespmem:v17+s26+$0x0] =	vst.idx.msk $0xffff, v16  }
0xa8: {  	s3 =	smul.u32 @!p1 $0xAB, s3;
	v16 =	vld @!p1 [tilespmem:s30+$0x0];
	_ =	sdelay $0x1  }
0xa9: {  	s3 =	sshrl.u32 @!p1 s3, $0xA  }
0xaa: {  	s3 =	sand.u32 @!p1 $0x3F, s3  }
0xab: {  	s3 =	smul.u32 @!p1 $0x6, s3  }
0xac: {  	(v2sf) =	vpush @!p1 v16, $0x0  }
0xad: {  	s3 =	ssub.s32 @!p1 $0x6, s3  }
0xae: {  	s3 =	sand.u32 @!p1 $0xFF, s3  }
0xaf: {  	s3 =	sshll.u32 @!p1 s3, $0xD  }
0xb0: {  	s31 =	simm.s32 $0x1;
	s4 =	sor.u32 @!p1 $0x300, s3  }
.LBB2_2:
0xb1: {  	_ =	sdelay $0x6  }
0xb2: {  	s30 =	sadd.s32 $0x1, s30  }
0xb3: {  	s29 =	sadd.s32 $0x1, s29;
	s3 =	smov.u32 s31;
	s31 =	sadd.s32 $0x1, s31  }
0xb4: {  	p0 =	sne.s32 s31, $0x100  }
0xb5: {  	s1 =	smul.u32 $0xAB, s3;
	s2 =	spop @!p1 (v2sf)  }
0xb6: {  	s13 =	simm.s32 @!p1 $0x7A1400;
	s2 =	sshll.u32 @!p1 s2, $0x7  }
0xb7: {  	s14 =	simm.s32 @!p1 $0x400;
	s1 =	sshrl.u32 s1, $0xA;
	s2 =	sand.u32 @!p1 $0x1FFFFF80, s2  }
0xb8: {  	s1 =	sand.u32 $0x3F, s1;
	s2 =	sadd.s32 @!p1 s0, s2  }
0xb9: {  	[tilespmem:s4], [sflag:$0x1] =	stream.strided.gather @!p1 [hbm4b:s2+s14], $0x2000, s13, s14, $0x38;
	[tilespmem:$0x14400] =	vst v63  }
0xba: {  	s1 =	smul.u32 $0x6, s1;
	_ =	swait.ge [sflag:s25], $0x2000  }
0xbb: {  	[sflag:s25] =	ssyncset.done $0x0  }
0xbc: {  	s1 =	ssub.s32 s3, s1;
	[sflag:s25] =	ssyncadd.s32 $0xFFFFE000  }
0xbd: {  	v16 =	vmov s3;
	s1 =	sand.u32 $0xFF, s1;
	v18 =	vld.msk [tilespmem:s29+$0x0 ss:$0x0], $0xffff  }
0xbe: {  	v17 =	vand.u32 $0x7F, v16;
	v16 =	vshll.u32 v16, $0x3;
	s1 =	sshll.u32 s1, $0xD  }
0xbf: {  	v16 =	vand.u32 $0x400, v16  }
0xc0: {  	v19 =	vor.u32 v17, v16  }
0xc1: {  	v16 =	vor.u32 v3, v19  }
0xc2: {  	v17 =	vor.u32 v1, v19  }
0xc3: {  	v20 =	vand.u32 $0xFFFFFF80, v18;
	v18 =	vand.u32 $0x7F, v18  }
0xc4: {  	v20 =	vadd.s32 s1, v20  }
0xc5: {  	v20 =	vor.u32 v18, v20;
	v18 =	vor.u32 v5, v19  }
0xc6: {  	v21 =	vadd.s32 v0, v20;
	v23 =	vadd.s32 v4, v20;
	v24 =	vadd.s32 v6, v20;
	v22 =	vld.idx.msk [tilespmem:v16+s12+$0x0], $0xffff  }
0xc7: {  	v20 =	vadd.s32 v2, v20;
	v25 =	vld.idx.msk [tilespmem:v17+s12+$0x0], $0xffff;
	_ =	sdelay $0x2  }
0xc8: {  	v19 =	vor.u32 v7, v19;
	v26 =	vld.idx.msk [tilespmem:v18+s12+$0x0], $0xffff  }
0xc9: {  	v21 =	vld.idx.msk [tilespmem:v21+s18+$0x0], $0xffff  }
0xca: {  	v20 =	vld.idx.msk [tilespmem:v20+s18+$0x0], $0xffff  }
0xcb: {  	v23 =	vld.idx.msk [tilespmem:v23+s18+$0x0], $0xffff  }
0xcc: {  	v24 =	vld.idx.msk [tilespmem:v24+s18+$0x0], $0xffff  }
0xcd: {  	v27 =	vld.idx.msk [tilespmem:v19+s12+$0x0], $0xffff;
	_ =	sdelay $0x1  }
0xce: {  	v21 =	vadd.f32 v25, v21  }
0xcf: {  	v20 =	vadd.f32 v22, v20  }
0xd0: {  	v22 =	vadd.f32 v26, v23  }
0xd1: {  	v23 =	vadd.f32 v20, v21  }
0xd2: {  	v24 =	vadd.f32 v27, v24  }
0xd3: {  	v23 =	vadd.f32 v22, v23;
	_ =	sdelay $0x1  }
0xd4: {  	v23 =	vadd.f32 v24, v23;
	_ =	sdelay $0x1  }
0xd5: {  	(xrf2) =	vadd.scan.msk.f32 $0xffff, v23;
	_ =	sdelay $0x9  }
0xd6: {  	v23, _, _ =	vpop (xrf2)  }
0xd7: {  	(v2sf) =	vpush v23, $0xF;
	_ =	sdelay $0xe  }
0xd8: {  	s1 =	spop (v2sf)  }
0xd9: {  	s1 =	smul.f32 $1.562500000e-02, s1;
	_ =	sdelay $0x1  }
0xda: {  	v23 =	vmov s1  }
0xdb: {  	v21 =	vsub.f32 v21, v23;
	v20 =	vsub.f32 v20, v23  }
0xdc: {  	v22 =	vsub.f32 v22, v23  }
0xdd: {  	v25 =	vmul.f32 v21, v21;
	v26 =	vmul.f32 v20, v20  }
0xde: {  	v23 =	vsub.f32 v24, v23;
	v24 =	vmul.f32 v22, v22  }
0xdf: {  	v25 =	vadd.f32 v26, v25  }
0xe0: {  	v26 =	vmul.f32 v23, v23  }
0xe1: {  	v24 =	vadd.f32 v25, v24;
	_ =	sdelay $0x1  }
0xe2: {  	v24 =	vadd.f32 v24, v26;
	_ =	sdelay $0x1  }
0xe3: {  	(xrf2) =	vadd.scan.msk.f32 $0xffff, v24;
	_ =	sdelay $0x9  }
0xe4: {  	v24, _, _ =	vpop (xrf2)  }
0xe5: {  	(v2sf) =	vpush v24, $0xF;
	_ =	sdelay $0xe  }
0xe6: {  	s1 =	spop (v2sf)  }
0xe7: {  	s1 =	smul.f32 $1.562500000e-02, s1;
	_ =	sdelay $0x1  }
0xe8: {  	s1 =	sadd.f32 $1.000000010e-10, s1;
	_ =	sdelay $0x1  }
0xe9: {  	v24 =	vmov s1  }
0xea: {  	v25 =	vshra.s32 v24, $0x1;
	v24 =	vmul.f32 $5.000000000e-01, v24  }
0xeb: {  	v25 =	vsub.s32 $0x5F3759DF, v25  }
0xec: {  	v26 =	vmul.f32 v25, v24;
	_ =	sdelay $0x1  }
0xed: {  	v26 =	vmul.f32 v25, v26;
	_ =	sdelay $0x1  }
0xee: {  	v26 =	vsub.f32 $1.500000000e+00, v26;
	_ =	sdelay $0x1  }
0xef: {  	v25 =	vmul.f32 v25, v26;
	_ =	sdelay $0x1  }
0xf0: {  	v26 =	vmul.f32 v25, v24;
	_ =	sdelay $0x1  }
0xf1: {  	v26 =	vmul.f32 v26, v25;
	_ =	sdelay $0x1  }
0xf2: {  	v26 =	vsub.f32 $1.500000000e+00, v26;
	_ =	sdelay $0x1  }
0xf3: {  	v25 =	vmul.f32 v26, v25;
	_ =	sdelay $0x1  }
0xf4: {  	v24 =	vmul.f32 v25, v24;
	_ =	sdelay $0x1  }
0xf5: {  	v24 =	vmul.f32 v24, v25;
	_ =	sdelay $0x1  }
0xf6: {  	v24 =	vsub.f32 $1.500000000e+00, v24;
	_ =	sdelay $0x1  }
0xf7: {  	v24 =	vmul.f32 v24, v25;
	_ =	sdelay $0x1  }
0xf8: {  	v21 =	vmul.f32 v24, v21;
	v20 =	vmul.f32 v24, v20  }
0xf9: {  	v22 =	vmul.f32 v24, v22;
	v23 =	vmul.f32 v24, v23  }
0xfa: {  	v21 =	vmul.f32 v21, v8;
	v20 =	vmul.f32 v20, v9  }
0xfb: {  	v22 =	vmul.f32 v22, v10;
	v23 =	vmul.f32 v23, v11  }
0xfc: {  	v21 =	vadd.f32 v21, v12;
	v20 =	vadd.f32 v20, v13  }
0xfd: {  	v22 =	vadd.f32 v22, v14  }
0xfe: {  	[tilespmem:v17+s26+$0x0] =	vst.idx.msk $0xffff, v21;
	v17 =	vadd.f32 v23, v15  }
0xff: {  	[tilespmem:v16+s26+$0x0] =	vst.idx.msk $0xffff, v20  }
0x100: {  	p1 =	sgt.u32 s3, $0xF9;
	[tilespmem:v18+s26+$0x0] =	vst.idx.msk $0xffff, v22  }
0x101: {  	s1 =	sadd.s32 @!p1 $0x6, s3;
	[tilespmem:v19+s26+$0x0] =	vst.idx.msk $0xffff, v17  }
0x102: {  	s2 =	smul.u32 @!p1 $0xAB, s1;
	v16 =	vld @!p1 [tilespmem:s30+$0x0];
	_ =	sdelay $0x1  }
0x103: {  	s2 =	sshrl.u32 @!p1 s2, $0xA  }
0x104: {  	s2 =	sand.u32 @!p1 $0x3F, s2  }
0x105: {  	s2 =	smul.u32 @!p1 $0x6, s2  }
.Ltmp0:
0x106: {  	(v2sf) =	vpush @!p1 v16, $0x0;
	(pc) =	sbr.rel @p0 .LBB2_2-.Ltmp0, $4  }
0x107: {  	s1 =	ssub.s32 @!p1 s1, s2  }
0x108: {  	s1 =	sand.u32 @!p1 $0xFF, s1  }
0x109: {  	s1 =	sshll.u32 @!p1 s1, $0xD  }
0x10a: {  	s4 =	sor.u32 @!p1 $0x300, s1  }
0x10b: {  	_ =	sdelay $0x9  }
0x10c: {  	s1 =	spop @!p1 (v2sf)  }
0x10d: {  	s1 =	sshll.u32 @!p1 s1, $0x7  }
0x10e: {  	s2 =	simm.s32 @!p1 $0x7A1400;
	s28 =	sadd.s32 $0x1, s28;
	s1 =	sand.u32 @!p1 $0x1FFFFF80, s1  }
0x10f: {  	s3 =	simm.s32 @!p1 $0x400;
	p0 =	sne.s32 s28, s9;
	s1 =	sadd.s32 @!p1 s0, s1  }
0x110: {  	[tilespmem:s4], [sflag:$0x1] =	stream.strided.gather @!p1 [hbm4b:s1+s3], $0x2000, s2, s3, $0x38;
	[tilespmem:$0x14400] =	vst v63  }
.Ltmp1:
0x111: {  	_ = 	snop;
	(pc) =	sbr.rel @p0 .LBB2_1-.Ltmp1, $4  }
0x112: {  	[hbm4b:s24+s10] =	stream.strided.scatter [tilespmem:s26], [sflag:$0x2], $0x4000, s11, s10, $0x38;
	[tilespmem:$0x14400] =	vst v63  }
0x113: {  	_ =	swait.ge [sflag:s16], $0x4000  }
0x114: {  	[sflag:s16] =	ssyncset.done $0x0  }
0x115: {  	[sflag:s16] =	ssyncadd.s32 $0xFFFFC000  }
0x116: {  	_ =	sfence.sel $0x180000  }
0x117: {  	[bflag:$0x0] =	sbarrier.arrive $0xFFFF  }
0x118: {  	_ =	strace $0x90000047  }
0x119: {  	s0 =	stileid.u32;
	[bflag:$0x2] =	sbarrier.arrive $0xFFFF  }
0x11a: {  	p0 =	sne.s32 s0, $0x0;
	s0 =	rddreg [dreg:$0x5]  }
0x11b: {  	s0 =	sadd.s32 @!p0 $0x100000, s0  }
0x11c: {  	[sflag:s0] =	ssyncadd.tile.s32 @!p0 $0x1;
	_ =	shalt  }
.Lfunc_end2:
_tile_overlayer_lowered:
.L_overlay_start_2:
0x11d: {  	(tag) =	ssettag $0x2  }
0x11e: {  	s0 =	rddreg [dreg:$0x0];
	s2 =	stileid.u32  }
0x11f: {  	s1 =	rddreg [dreg:$0x1];
	p0 =	sne.s32 s2, $0x0  }
0x120: {  	s3 =	rddreg [dreg:$0x2];
	[bflag:$0x3] =	sbarrier.arrive $0xFFFF;
	s2 =	simm.s32 @!p0 $0x1C02  }
0x121: {  	[timem:s3], [sflag:s2] =	dma.local @!p0 [hbm:s0], s1  }
0x122: {  	s0 =	simm.s32 @!p0 $0x2  }
0x123: {  	_ =	swait.ge @!p0 [sflag:s0], s1  }
0x124: {  	s1 =	ssub.s32 @!p0 $0x0, s1;
	[sflag:s0] =	ssyncset.done @!p0 $0x0  }
0x125: {  	[sflag:s0] =	ssyncadd.s32 @!p0 s1  }
0x126: {  	[bflag:$0x3] =	sbarrier.arrive $0xFFFF  }
0x127: {  	_ =	shalt  }

</sc_bundles>
